<compile_context>
chip_gen: v7x
topology: tpu7x:2x2x1
jax: 0.10.2.dev20260603
libtpu: 0.0.44.dev20260713+nightly
codegen_flags: <defaults>
</compile_context>

<pallas_src>
import functools

import jax
import jax.numpy as jnp
from jax import lax
from jax.experimental import pallas as pl
from jax.experimental.pallas import tpu as pltpu
from jax.experimental.pallas import tpu_sc as plsc

EPS_ = 0.0001
LN_EPS = 1e-5

NC = 2
NS = 16
K = 80



def _pre_h_body(x_ref, fcw_ref, fcb_ref, h_ref):
    h_ref[...] = jnp.dot(x_ref[...], fcw_ref[...],
                         preferred_element_type=jnp.float32) + fcb_ref[...]


def _pre_h(x, fcw_t, fcb, bn):
    n, d = x.shape
    blk_x = pl.BlockSpec((bn, d), lambda i: (i, 0))
    blk_w = pl.BlockSpec((d, d), lambda i: (0, 0))
    blk_b = pl.BlockSpec((1, d), lambda i: (0, 0))
    return pl.pallas_call(
        _pre_h_body,
        grid=(n // bn,),
        in_specs=[blk_x, blk_w, blk_b],
        out_specs=blk_x,
        out_shape=jax.ShapeDtypeStruct((n, d), jnp.float32),
    )(x, fcw_t, fcb)



def _make_agg(n, d, e, n_pad):
    nw = NC * NS
    ep = e // nw
    ch = ep // K
    rp = n_pad // NS
    assert ep * nw == e and ch * K == ep and rp % 16 == 0 and ep % 8 == 0

    mesh = plsc.VectorSubcoreMesh(core_axis_name="c", subcore_axis_name="s",
                                  num_cores=NC, num_subcores=NS)

    GS = 4
    IS = 8

    scratch = (
        [pltpu.VMEM((K, d), jnp.float32)] * GS
        + [pltpu.VMEM((K,), jnp.int32)] * IS
        + [pltpu.VMEM((K,), jnp.int32)] * IS
        + [pltpu.VMEM((K,), jnp.float32),
           pltpu.VMEM((rp,), jnp.float32)]
        + [pltpu.SemaphoreType.DMA] * (GS * 3 + IS)
        + [pltpu.VMEM_SHARED((n_pad, d), jnp.float32),
           pltpu.VMEM_SHARED((n_pad,), jnp.float32)]
    )

    @functools.partial(
        pl.kernel,
        out_type=(jax.ShapeDtypeStruct((NC * n_pad, d), jnp.float32),
                  jax.ShapeDtypeStruct((NC * n_pad,), jnp.float32)),
        mesh=mesh,
        scratch_types=scratch,
    )
    def agg(h_hbm, row_hbm, col_hbm, s_out, cnt_out, *sc):
        bufs = list(sc[0:GS])
        cidxs = list(sc[GS:GS + IS])
        ridxs = list(sc[GS + IS:GS + 2 * IS])
        ones_v, cstage_v = sc[GS + 2 * IS], sc[GS + 2 * IS + 1]
        p = GS + 2 * IS + 2
        semG = list(sc[p:p + GS])
        semS = list(sc[p + GS:p + 2 * GS])
        semC = list(sc[p + 2 * GS:p + 3 * GS])
        semI = list(sc[p + 3 * GS:p + 3 * GS + IS])
        acc_sh, cnt_sh = sc[p + 3 * GS + IS], sc[p + 3 * GS + IS + 1]

        c = lax.axis_index("c")
        s = lax.axis_index("s")
        wid = s * NC + c
        base = wid * ep

        def iload(j, isl):
            pltpu.async_copy(col_hbm.at[pl.ds(base + j * K, K)],
                             cidxs[isl], semI[isl])
            pltpu.async_copy(row_hbm.at[pl.ds(base + j * K, K)],
                             ridxs[isl], semI[isl])

        def iwait(j, isl):
            pltpu.make_async_copy(col_hbm.at[pl.ds(base + j * K, K)],
                                  cidxs[isl], semI[isl]).wait()
            pltpu.make_async_copy(row_hbm.at[pl.ds(base + j * K, K)],
                                  ridxs[isl], semI[isl]).wait()

        def gstart(isl, gs):
            pltpu.async_copy(h_hbm.at[cidxs[isl]], bufs[gs], semG[gs])

        def gwait(isl, gs):
            pltpu.make_async_copy(h_hbm.at[cidxs[isl]], bufs[gs],
                                  semG[gs]).wait()

        def sstart(isl, gs):
            pltpu.async_copy(bufs[gs], acc_sh.at[ridxs[isl]], semS[gs],
                             add=True)
            pltpu.async_copy(ones_v, cnt_sh.at[ridxs[isl]], semC[gs],
                             add=True)

        def swait(isl, gs):
            pltpu.make_async_copy(bufs[gs], acc_sh.at[ridxs[isl]],
                                  semS[gs]).wait()
            pltpu.make_async_copy(ones_v, cnt_sh.at[ridxs[isl]],
                                  semC[gs]).wait()

        iload(0, 0)
        iload(1, 1)
        iload(2, 2)

        @pl.loop(0, 16)
        def _zr(r):
            @pl.loop(0, d // 16)
            def _zc(j):
                bufs[0][r, pl.ds(j * 16, 16)] = jnp.zeros((16,), jnp.float32)

        @pl.loop(0, rp // 16)
        def _z(j):
            cstage_v[pl.ds(j * 16, 16)] = jnp.zeros((16,), jnp.float32)

        @pl.loop(0, K // 16)
        def _o(j):
            ones_v[pl.ds(j * 16, 16)] = jnp.full((16,), 1.0, jnp.float32)

        @pl.loop(0, rp // 16)
        def _za(j):
            pltpu.sync_copy(bufs[0].at[pl.ds(0, 16)],
                            acc_sh.at[pl.ds(s * rp + j * 16, 16)])

        pltpu.sync_copy(cstage_v, cnt_sh.at[pl.ds(s * rp, rp)])

        iwait(0, 0)
        gstart(0, 0)
        iwait(1, 1)
        gstart(1, 1)
        plsc.subcore_barrier()

        n_outer = -(-(ch + 2) // IS)

        @pl.loop(0, n_outer * IS, step=IS)
        def _outer(i):
            for b in range(IS):
                j = i + b

                jj = j - 2
                if b >= 2:
                    cond_a = jj < ch
                else:
                    cond_a = jnp.logical_and(jj >= 0, jj < ch)

                @pl.when(cond_a)
                def _a(jj=jj, b=b):
                    swait((b - 2) % IS, (b - 2) % GS)

                @pl.when(j + 3 < ch)
                def _b(j=j, b=b):
                    iload(j + 3, (b + 3) % IS)

                @pl.when(j + 2 < ch)
                def _c(j=j, b=b):
                    iwait(j + 2, (b + 2) % IS)
                    gstart((b + 2) % IS, (b + 2) % GS)

                @pl.when(j < ch)
                def _d(j=j, b=b):
                    gwait(b % IS, b % GS)
                    sstart(b % IS, b % GS)

        plsc.subcore_barrier()

        pltpu.sync_copy(acc_sh.at[pl.ds(s * rp, rp)],
                        s_out.at[pl.ds(c * n_pad + s * rp, rp)])
        pltpu.sync_copy(cnt_sh.at[pl.ds(s * rp, rp)], cstage_v)
        pltpu.sync_copy(cstage_v, cnt_out.at[pl.ds(c * n_pad + s * rp, rp)])

    return agg



def _post_body(h_ref, x_ref, ratew_ref, robw_ref, robb_ref, deg_ref,
               s0_ref, s1_ref, c0_ref, c1_ref, lnw_ref, lnb_ref, out_ref):
    x = x_ref[...]
    z = jnp.dot(x, ratew_ref[...], preferred_element_type=jnp.float32)
    r = jax.nn.softplus(z) + EPS_
    gamma = jnp.dot(x, robw_ref[...],
                    preferred_element_type=jnp.float32) + robb_ref[...]
    cnt = c0_ref[0] + c1_ref[0]
    agg = cnt * h_ref[...] + s0_ref[0] + s1_ref[0]
    out = (r * agg + gamma) / (1.0 + r * deg_ref[...] + EPS_)
    mean = jnp.mean(out, axis=-1, keepdims=True)
    cen = out - mean
    var = jnp.mean(cen * cen, axis=-1, keepdims=True)
    out_ref[...] = cen / jnp.sqrt(var + LN_EPS) * lnw_ref[...] + lnb_ref[...]


def _post(h, x, ratew_t, robw_t, robb, deg2, s_part, cnt_part, lnw, lnb, bn):
    n, d = h.shape
    nb = n // bn
    grid = (nb,)
    blk = pl.BlockSpec((bn, d), lambda i: (i, 0))
    blk_w = pl.BlockSpec((d, d), lambda i: (0, 0))
    blk1 = pl.BlockSpec((bn, 1), lambda i: (i, 0))
    blk_s0 = pl.BlockSpec((1, bn, d), lambda i: (0, i, 0))
    blk_s1 = pl.BlockSpec((1, bn, d), lambda i: (1, i, 0))
    blk_c0 = pl.BlockSpec((1, bn, 1), lambda i: (0, i, 0))
    blk_c1 = pl.BlockSpec((1, bn, 1), lambda i: (1, i, 0))
    blk_ln = pl.BlockSpec((1, d), lambda i: (0, 0))
    return pl.pallas_call(
        _post_body,
        grid=grid,
        in_specs=[blk, blk, blk_w, blk_w, blk_ln, blk1, blk_s0, blk_s1,
                  blk_c0, blk_c1, blk_ln, blk_ln],
        out_specs=blk,
        out_shape=jax.ShapeDtypeStruct((n, d), jnp.float32),
    )(h, x, ratew_t, robw_t, robb, deg2, s_part, s_part, cnt_part,
      cnt_part, lnw, lnb)



def kernel(x, edge_index, degree, fc_w, fc_b, rate_w, rob_w, rob_b,
           ln_w, ln_b):
    n, d = x.shape
    e = edge_index.shape[1]
    bn = 2000
    assert n % bn == 0

    row = edge_index[0]
    col = edge_index[1]

    h = _pre_h(x, fc_w.T, fc_b.reshape(1, d), bn)

    n_pad = -(-n // (NS * 16)) * (NS * 16)
    s_part, cnt_part = _make_agg(n, d, e, n_pad)(h, row, col)

    s_part = s_part.reshape(NC, n_pad, d)
    cnt_part = cnt_part.reshape(NC, n_pad, 1)

    return _post(h, x, rate_w.T, rob_w.T, rob_b.reshape(1, d),
                 degree.reshape(n, 1), s_part, cnt_part,
                 ln_w.reshape(1, d), ln_b.reshape(1, d), bn)

# --- scband reference (transcript-rebuilt; emitter-appended) ---
"""Pipeline reference for scband-boundary-conv-layer-74500502716662 (READ-ONLY COPY).

The authoritative reference and input builder live on the scoring server;
editing this copy changes nothing except your own understanding.
"""

import jax, jax.numpy as jnp
import numpy as np

EPS = 0.0001
N = 10000
E = 320000
D_IN = 128
D_OUT = 128


def setup_inputs(seed: int = 0) -> dict:
    key = jax.random.key(seed)
    ks = jax.random.split(key, 8)
    x = jax.random.normal(ks[0], (N, D_IN), dtype=jnp.float32)
    edge_index = jax.random.randint(ks[1], (2, E), 0, N, dtype=jnp.int32)
    degree = jax.random.uniform(ks[2], (N,), dtype=jnp.float32)
    fc_w = jax.random.normal(ks[3], (D_OUT, D_IN), dtype=jnp.float32) * 0.05
    fc_b = jnp.zeros((D_OUT,), dtype=jnp.float32)
    rate_w = jax.random.normal(ks[4], (D_OUT, D_IN), dtype=jnp.float32) * 0.05
    rob_w = jax.random.normal(ks[5], (D_OUT, D_IN), dtype=jnp.float32) * 0.05
    rob_b = jnp.zeros((D_OUT,), dtype=jnp.float32)
    ln_w = jnp.ones((D_OUT,), dtype=jnp.float32)
    ln_b = jnp.zeros((D_OUT,), dtype=jnp.float32)
    return {
        "x": x,
        "edge_index": edge_index,
        "degree": degree,
        "fc_w": fc_w,
        "fc_b": fc_b,
        "rate_w": rate_w,
        "rob_w": rob_w,
        "rob_b": rob_b,
        "ln_w": ln_w,
        "ln_b": ln_b,
    }


def layer_norm(h, w, b, eps=1e-5):
    mean = jnp.mean(h, axis=-1, keepdims=True)
    var = jnp.var(h, axis=-1, keepdims=True)
    return (h - mean) / jnp.sqrt(var + eps) * w + b


def reference(x, edge_index, degree, fc_w, fc_b, rate_w, rob_w, rob_b, ln_w, ln_b):
    rate = jax.nn.softplus(x @ rate_w.T) + EPS
    gamma = x @ rob_w.T + rob_b
    h = x @ fc_w.T + fc_b
    row = edge_index[0]
    col = edge_index[1]
    msgs = h[row] + h[col]
    agg = jax.ops.segment_sum(msgs, row, num_segments=N)
    out = (rate * agg + gamma) / (1.0 + rate * degree[:, None] + EPS)
    out = layer_norm(out, ln_w, ln_b)
    return out

if __name__ == "__main__":
    import jax
    _d = setup_inputs()
    print(jax.jit(kernel)(*tuple(_d.values())))

</pallas_src>

<mosaic_0001>
#map = affine_map<(d0, d1) -> (0, 0)>
#map1 = affine_map<(d0, d1) -> (0)>
module attributes {stable_mosaic.version = 14 : i64} {
  func.func @agg(%arg0: i32, %arg1: i32, %arg2: memref<10000x128xf32, #tpu.memory_space<hbm>>, %arg3: memref<320000xi32, #tpu.memory_space<hbm>>, %arg4: memref<320000xi32, #tpu.memory_space<hbm>>, %arg5: memref<20480x128xf32, #tpu.memory_space<hbm>>, %arg6: memref<20480xf32, #tpu.memory_space<hbm>>, %arg7: memref<80x128xf32, #tpu.memory_space<vmem>>, %arg8: memref<80x128xf32, #tpu.memory_space<vmem>>, %arg9: memref<80x128xf32, #tpu.memory_space<vmem>>, %arg10: memref<80x128xf32, #tpu.memory_space<vmem>>, %arg11: memref<80xi32, #tpu.memory_space<vmem>>, %arg12: memref<80xi32, #tpu.memory_space<vmem>>, %arg13: memref<80xi32, #tpu.memory_space<vmem>>, %arg14: memref<80xi32, #tpu.memory_space<vmem>>, %arg15: memref<80xi32, #tpu.memory_space<vmem>>, %arg16: memref<80xi32, #tpu.memory_space<vmem>>, %arg17: memref<80xi32, #tpu.memory_space<vmem>>, %arg18: memref<80xi32, #tpu.memory_space<vmem>>, %arg19: memref<80xi32, #tpu.memory_space<vmem>>, %arg20: memref<80xi32, #tpu.memory_space<vmem>>, %arg21: memref<80xi32, #tpu.memory_space<vmem>>, %arg22: memref<80xi32, #tpu.memory_space<vmem>>, %arg23: memref<80xi32, #tpu.memory_space<vmem>>, %arg24: memref<80xi32, #tpu.memory_space<vmem>>, %arg25: memref<80xi32, #tpu.memory_space<vmem>>, %arg26: memref<80xi32, #tpu.memory_space<vmem>>, %arg27: memref<80xf32, #tpu.memory_space<vmem>>, %arg28: memref<640xf32, #tpu.memory_space<vmem>>, %arg29: memref<!tpu.dma_semaphore, #tpu.memory_space<semaphore_mem>>, %arg30: memref<!tpu.dma_semaphore, #tpu.memory_space<semaphore_mem>>, %arg31: memref<!tpu.dma_semaphore, #tpu.memory_space<semaphore_mem>>, %arg32: memref<!tpu.dma_semaphore, #tpu.memory_space<semaphore_mem>>, %arg33: memref<!tpu.dma_semaphore, #tpu.memory_space<semaphore_mem>>, %arg34: memref<!tpu.dma_semaphore, #tpu.memory_space<semaphore_mem>>, %arg35: memref<!tpu.dma_semaphore, #tpu.memory_space<semaphore_mem>>, %arg36: memref<!tpu.dma_semaphore, #tpu.memory_space<semaphore_mem>>, %arg37: memref<!tpu.dma_semaphore, #tpu.memory_space<semaphore_mem>>, %arg38: memref<!tpu.dma_semaphore, #tpu.memory_space<semaphore_mem>>, %arg39: memref<!tpu.dma_semaphore, #tpu.memory_space<semaphore_mem>>, %arg40: memref<!tpu.dma_semaphore, #tpu.memory_space<semaphore_mem>>, %arg41: memref<!tpu.dma_semaphore, #tpu.memory_space<semaphore_mem>>, %arg42: memref<!tpu.dma_semaphore, #tpu.memory_space<semaphore_mem>>, %arg43: memref<!tpu.dma_semaphore, #tpu.memory_space<semaphore_mem>>, %arg44: memref<!tpu.dma_semaphore, #tpu.memory_space<semaphore_mem>>, %arg45: memref<!tpu.dma_semaphore, #tpu.memory_space<semaphore_mem>>, %arg46: memref<!tpu.dma_semaphore, #tpu.memory_space<semaphore_mem>>, %arg47: memref<!tpu.dma_semaphore, #tpu.memory_space<semaphore_mem>>, %arg48: memref<!tpu.dma_semaphore, #tpu.memory_space<semaphore_mem>>, %arg49: memref<10240x128xf32, #tpu.memory_space<vmem_shared>>, %arg50: memref<10240xf32, #tpu.memory_space<vmem_shared>>) attributes {dimension_semantics = [#tpu.dimension_semantics<core_parallel>, #tpu.dimension_semantics<subcore_parallel>], iteration_bounds = array<i64: 2, 16>, scalar_prefetch = 0 : i64, scratch_operands = 44 : i64, tpu.core_type = #tpu.core_type<sc_vector_subcore>, window_params = [{transform_indices = #map}, {transform_indices = #map1}, {transform_indices = #map1}, {transform_indices = #map}, {transform_indices = #map1}]} {
    %mul3A = arith.constant 2 : i32
    %mul3A_0 = arith.muli %arg1, %mul3A : i32
    %add3A = arith.addi %mul3A_0, %arg0 : i32
    %mul3A_1 = arith.constant 10000 : i32
    %mul3A_2 = arith.muli %add3A, %mul3A_1 : i32
    %add3A_3 = arith.constant 0 : i32
    %add3A_4 = arith.addi %mul3A_2, %add3A_3 : i32
    %dma_start3A = tpu.memref_slice %arg4[%add3A_4] : memref<320000xi32, #tpu.memory_space<hbm>> -> memref<80xi32, #tpu.memory_space<hbm>>
    %dma_start3A_5 = tpu.memref_slice %arg4[%add3A_4] : memref<320000xi32, #tpu.memory_space<hbm>> -> memref<80xi32, #tpu.memory_space<hbm>>
    tpu.enqueue_dma source(%dma_start3A_5 : memref<80xi32, #tpu.memory_space<hbm>>) target(%arg11 : memref<80xi32, #tpu.memory_space<vmem>>) target_semaphore(%arg41 : memref<!tpu.dma_semaphore, #tpu.memory_space<semaphore_mem>>)
    %add3A_6 = arith.constant 0 : i32
    %add3A_7 = arith.addi %mul3A_2, %add3A_6 : i32
    %dma_start3A_8 = tpu.memref_slice %arg3[%add3A_7] : memref<320000xi32, #tpu.memory_space<hbm>> -> memref<80xi32, #tpu.memory_space<hbm>>
    %dma_start3A_9 = tpu.memref_slice %arg3[%add3A_7] : memref<320000xi32, #tpu.memory_space<hbm>> -> memref<80xi32, #tpu.memory_space<hbm>>
    tpu.enqueue_dma source(%dma_start3A_9 : memref<80xi32, #tpu.memory_space<hbm>>) target(%arg19 : memref<80xi32, #tpu.memory_space<vmem>>) target_semaphore(%arg41 : memref<!tpu.dma_semaphore, #tpu.memory_space<semaphore_mem>>)
    %add3A_10 = arith.constant 80 : i32
    %add3A_11 = arith.addi %mul3A_2, %add3A_10 : i32
    %dma_start3A_12 = tpu.memref_slice %arg4[%add3A_11] : memref<320000xi32, #tpu.memory_space<hbm>> -> memref<80xi32, #tpu.memory_space<hbm>>
    %dma_start3A_13 = tpu.memref_slice %arg4[%add3A_11] : memref<320000xi32, #tpu.memory_space<hbm>> -> memref<80xi32, #tpu.memory_space<hbm>>
    tpu.enqueue_dma source(%dma_start3A_13 : memref<80xi32, #tpu.memory_space<hbm>>) target(%arg12 : memref<80xi32, #tpu.memory_space<vmem>>) target_semaphore(%arg42 : memref<!tpu.dma_semaphore, #tpu.memory_space<semaphore_mem>>)
    %add3A_14 = arith.constant 80 : i32
    %add3A_15 = arith.addi %mul3A_2, %add3A_14 : i32
    %dma_start3A_16 = tpu.memref_slice %arg3[%add3A_15] : memref<320000xi32, #tpu.memory_space<hbm>> -> memref<80xi32, #tpu.memory_space<hbm>>
    %dma_start3A_17 = tpu.memref_slice %arg3[%add3A_15] : memref<320000xi32, #tpu.memory_space<hbm>> -> memref<80xi32, #tpu.memory_space<hbm>>
    tpu.enqueue_dma source(%dma_start3A_17 : memref<80xi32, #tpu.memory_space<hbm>>) target(%arg20 : memref<80xi32, #tpu.memory_space<vmem>>) target_semaphore(%arg42 : memref<!tpu.dma_semaphore, #tpu.memory_space<semaphore_mem>>)
    %add3A_18 = arith.constant 160 : i32
    %add3A_19 = arith.addi %mul3A_2, %add3A_18 : i32
    %dma_start3A_20 = tpu.memref_slice %arg4[%add3A_19] : memref<320000xi32, #tpu.memory_space<hbm>> -> memref<80xi32, #tpu.memory_space<hbm>>
    %dma_start3A_21 = tpu.memref_slice %arg4[%add3A_19] : memref<320000xi32, #tpu.memory_space<hbm>> -> memref<80xi32, #tpu.memory_space<hbm>>
    tpu.enqueue_dma source(%dma_start3A_21 : memref<80xi32, #tpu.memory_space<hbm>>) target(%arg13 : memref<80xi32, #tpu.memory_space<vmem>>) target_semaphore(%arg43 : memref<!tpu.dma_semaphore, #tpu.memory_space<semaphore_mem>>)
    %add3A_22 = arith.constant 160 : i32
    %add3A_23 = arith.addi %mul3A_2, %add3A_22 : i32
    %dma_start3A_24 = tpu.memref_slice %arg3[%add3A_23] : memref<320000xi32, #tpu.memory_space<hbm>> -> memref<80xi32, #tpu.memory_space<hbm>>
    %dma_start3A_25 = tpu.memref_slice %arg3[%add3A_23] : memref<320000xi32, #tpu.memory_space<hbm>> -> memref<80xi32, #tpu.memory_space<hbm>>
    tpu.enqueue_dma source(%dma_start3A_25 : memref<80xi32, #tpu.memory_space<hbm>>) target(%arg21 : memref<80xi32, #tpu.memory_space<vmem>>) target_semaphore(%arg43 : memref<!tpu.dma_semaphore, #tpu.memory_space<semaphore_mem>>)
    %scan3A = arith.constant 0 : i32
    %scan3A_26 = arith.constant 16 : i32
    %scan3A_27 = arith.addi %scan3A, %scan3A_26 : i32
    %scan3A_28 = arith.constant 1 : i32
    scf.for %scan3A_88 = %scan3A to %scan3A_27 step %scan3A_28  : i32 {
      %mul3A_89 = arith.constant 1 : i32
      %mul3A_90 = arith.muli %scan3A_88, %mul3A_89 : i32
      %add3A_91 = arith.constant 0 : i32
      %add3A_92 = arith.addi %add3A_91, %mul3A_90 : i32
      %scan3A_93 = arith.constant 0 : i32
      %scan3A_94 = arith.constant 8 : i32
      %scan3A_95 = arith.addi %scan3A_93, %scan3A_94 : i32
      %scan3A_96 = arith.constant 1 : i32
      scf.for %scan3A_98 = %scan3A_93 to %scan3A_95 step %scan3A_96  : i32 {
        %mul3A_99 = arith.constant 1 : i32
        %mul3A_100 = arith.muli %scan3A_98, %mul3A_99 : i32
        %add3A_101 = arith.constant 0 : i32
        %add3A_102 = arith.addi %add3A_101, %mul3A_100 : i32
        %broadcast_in_dim3A = arith.constant 0.000000e+00 : f32
        %broadcast_in_dim3A_103 = vector.broadcast %broadcast_in_dim3A : f32 to vector<16xf32>
        %mul3A_104 = arith.constant 16 : i32
        %mul3A_105 = arith.muli %add3A_102, %mul3A_104 : i32
        %swap3A = arith.index_cast %add3A_92 : i32 to index
        %swap3A_106 = arith.index_cast %mul3A_105 : i32 to index
        %swap3A_107 = tpu.vector_load %arg7[%swap3A, %swap3A_106] {strides = array<i32>} : memref<80x128xf32, #tpu.memory_space<vmem>>, vector<1x16xf32>,
        %swap3A_108 = vector.shape_cast %swap3A_107 : vector<1x16xf32> to vector<16xf32>
        %swap3A_109 = vector.shape_cast %broadcast_in_dim3A_103 : vector<16xf32> to vector<1x16xf32>
        tpu.vector_store %arg7[%swap3A, %swap3A_106], %swap3A_109 {strides = array<i32>} : memref<80x128xf32, #tpu.memory_space<vmem>>, vector<1x16xf32>,
      }
      %scan3A_97 = arith.constant 8 : i32
    }
    %scan3A_29 = arith.constant 16 : i32
    %scan3A_30 = arith.constant 0 : i32
    %scan3A_31 = arith.constant 40 : i32
    %scan3A_32 = arith.addi %scan3A_30, %scan3A_31 : i32
    %scan3A_33 = arith.constant 1 : i32
    scf.for %scan3A_88 = %scan3A_30 to %scan3A_32 step %scan3A_33  : i32 {
      %mul3A_89 = arith.constant 1 : i32
      %mul3A_90 = arith.muli %scan3A_88, %mul3A_89 : i32
      %add3A_91 = arith.constant 0 : i32
      %add3A_92 = arith.addi %add3A_91, %mul3A_90 : i32
      %broadcast_in_dim3A = arith.constant 0.000000e+00 : f32
      %broadcast_in_dim3A_93 = vector.broadcast %broadcast_in_dim3A : f32 to vector<16xf32>
      %mul3A_94 = arith.constant 16 : i32
      %mul3A_95 = arith.muli %add3A_92, %mul3A_94 : i32
      %swap3A = arith.index_cast %mul3A_95 : i32 to index
      %swap3A_96 = tpu.vector_load %arg28[%swap3A] {strides = array<i32>} : memref<640xf32, #tpu.memory_space<vmem>>, vector<16xf32>,
      %swap3A_97 = vector.shape_cast %swap3A_96 : vector<16xf32> to vector<16xf32>
      %swap3A_98 = vector.shape_cast %broadcast_in_dim3A_93 : vector<16xf32> to vector<16xf32>
      tpu.vector_store %arg28[%swap3A], %swap3A_98 {strides = array<i32>} : memref<640xf32, #tpu.memory_space<vmem>>, vector<16xf32>,
    }
    %scan3A_34 = arith.constant 40 : i32
    %scan3A_35 = arith.constant 0 : i32
    %scan3A_36 = arith.constant 5 : i32
    %scan3A_37 = arith.addi %scan3A_35, %scan3A_36 : i32
    %scan3A_38 = arith.constant 1 : i32
    scf.for %scan3A_88 = %scan3A_35 to %scan3A_37 step %scan3A_38  : i32 {
      %mul3A_89 = arith.constant 1 : i32
      %mul3A_90 = arith.muli %scan3A_88, %mul3A_89 : i32
      %add3A_91 = arith.constant 0 : i32
      %add3A_92 = arith.addi %add3A_91, %mul3A_90 : i32
      %broadcast_in_dim3A = arith.constant 1.000000e+00 : f32
      %broadcast_in_dim3A_93 = vector.broadcast %broadcast_in_dim3A : f32 to vector<16xf32>
      %mul3A_94 = arith.constant 16 : i32
      %mul3A_95 = arith.muli %add3A_92, %mul3A_94 : i32
      %swap3A = arith.index_cast %mul3A_95 : i32 to index
      %swap3A_96 = tpu.vector_load %arg27[%swap3A] {strides = array<i32>} : memref<80xf32, #tpu.memory_space<vmem>>, vector<16xf32>,
      %swap3A_97 = vector.shape_cast %swap3A_96 : vector<16xf32> to vector<16xf32>
      %swap3A_98 = vector.shape_cast %broadcast_in_dim3A_93 : vector<16xf32> to vector<16xf32>
      tpu.vector_store %arg27[%swap3A], %swap3A_98 {strides = array<i32>} : memref<80xf32, #tpu.memory_space<vmem>>, vector<16xf32>,
    }
    %scan3A_39 = arith.constant 5 : i32
    %scan3A_40 = arith.constant 0 : i32
    %scan3A_41 = arith.constant 40 : i32
    %scan3A_42 = arith.addi %scan3A_40, %scan3A_41 : i32
    %scan3A_43 = arith.constant 1 : i32
    scf.for %scan3A_88 = %scan3A_40 to %scan3A_42 step %scan3A_43  : i32 {
      %mul3A_89 = arith.constant 1 : i32
      %mul3A_90 = arith.muli %scan3A_88, %mul3A_89 : i32
      %add3A_91 = arith.constant 0 : i32
      %add3A_92 = arith.addi %add3A_91, %mul3A_90 : i32
      %mul3A_93 = arith.constant 640 : i32
      %mul3A_94 = arith.muli %arg1, %mul3A_93 : i32
      %mul3A_95 = arith.constant 16 : i32
      %mul3A_96 = arith.muli %add3A_92, %mul3A_95 : i32
      %add3A_97 = arith.addi %mul3A_94, %mul3A_96 : i32
      "tpu.region"() ({
        %run_scoped3A = tpu.sem_alloc : memref<!tpu.dma_semaphore, #tpu.memory_space<semaphore_mem>>
        %dma_start3A_98 = arith.constant 0 : i32
        %dma_start3A_99 = arith.constant 0 : i32
        %dma_start3A_100 = tpu.memref_slice %arg7[%dma_start3A_98, %dma_start3A_99] : memref<80x128xf32, #tpu.memory_space<vmem>> -> memref<16x128xf32, #tpu.memory_space<vmem>>
        %dma_start3A_101 = arith.constant 0 : i32
        %dma_start3A_102 = tpu.memref_slice %arg49[%add3A_97, %dma_start3A_101] : memref<10240x128xf32, #tpu.memory_space<vmem_shared>> -> memref<16x128xf32, #tpu.memory_space<vmem_shared>>
        %dma_start3A_103 = arith.constant 0 : i32
        %dma_start3A_104 = tpu.memref_slice %arg49[%add3A_97, %dma_start3A_103] : memref<10240x128xf32, #tpu.memory_space<vmem_shared>> -> memref<16x128xf32, #tpu.memory_space<vmem_shared>>
        %dma_start3A_105 = arith.constant 0 : i32
        %dma_start3A_106 = arith.constant 0 : i32
        %dma_start3A_107 = tpu.memref_slice %arg7[%dma_start3A_105, %dma_start3A_106] : memref<80x128xf32, #tpu.memory_space<vmem>> -> memref<16x128xf32, #tpu.memory_space<vmem>>
        tpu.enqueue_dma source(%dma_start3A_107 : memref<16x128xf32, #tpu.memory_space<vmem>>) target(%dma_start3A_104 : memref<16x128xf32, #tpu.memory_space<vmem_shared>>) target_semaphore(%run_scoped3A : memref<!tpu.dma_semaphore, #tpu.memory_space<semaphore_mem>>)
        %dma_wait3A_108 = arith.constant 0 : i32
        %dma_wait3A_109 = arith.constant 0 : i32
        %dma_wait3A_110 = tpu.memref_slice %arg7[%dma_wait3A_108, %dma_wait3A_109] : memref<80x128xf32, #tpu.memory_space<vmem>> -> memref<16x128xf32, #tpu.memory_space<vmem>>
        %dma_wait3A_111 = arith.constant 0 : i32
        %dma_wait3A_112 = tpu.memref_slice %arg49[%add3A_97, %dma_wait3A_111] : memref<10240x128xf32, #tpu.memory_space<vmem_shared>> -> memref<16x128xf32, #tpu.memory_space<vmem_shared>>
        %dma_wait3A_113 = arith.constant 0 : i32
        %dma_wait3A_114 = tpu.memref_slice %arg49[%add3A_97, %dma_wait3A_113] : memref<10240x128xf32, #tpu.memory_space<vmem_shared>> -> memref<16x128xf32, #tpu.memory_space<vmem_shared>>
        %dma_wait3A_115 = arith.constant 0 : i32
        %dma_wait3A_116 = arith.constant 0 : i32
        %dma_wait3A_117 = tpu.memref_slice %arg7[%dma_wait3A_115, %dma_wait3A_116] : memref<80x128xf32, #tpu.memory_space<vmem>> -> memref<16x128xf32, #tpu.memory_space<vmem>>
        tpu.wait_dma2 semaphore(%run_scoped3A : memref<!tpu.dma_semaphore, #tpu.memory_space<semaphore_mem>>) src(%dma_wait3A_117 : memref<16x128xf32, #tpu.memory_space<vmem>>) dst(%dma_wait3A_114 : memref<16x128xf32, #tpu.memory_space<vmem_shared>>)
        tpu.yield
      }) : () -> ()
    }
    %scan3A_44 = arith.constant 40 : i32
    %mul3A_45 = arith.constant 640 : i32
    %mul3A_46 = arith.muli %arg1, %mul3A_45 : i32
    "tpu.region"() ({
      %run_scoped3A = tpu.sem_alloc : memref<!tpu.dma_semaphore, #tpu.memory_space<semaphore_mem>>
      %dma_start3A_88 = tpu.memref_slice %arg50[%mul3A_46] : memref<10240xf32, #tpu.memory_space<vmem_shared>> -> memref<640xf32, #tpu.memory_space<vmem_shared>>
      %dma_start3A_89 = tpu.memref_slice %arg50[%mul3A_46] : memref<10240xf32, #tpu.memory_space<vmem_shared>> -> memref<640xf32, #tpu.memory_space<vmem_shared>>
      tpu.enqueue_dma source(%arg28 : memref<640xf32, #tpu.memory_space<vmem>>) target(%dma_start3A_89 : memref<640xf32, #tpu.memory_space<vmem_shared>>) target_semaphore(%run_scoped3A : memref<!tpu.dma_semaphore, #tpu.memory_space<semaphore_mem>>)
      %dma_wait3A_90 = tpu.memref_slice %arg50[%mul3A_46] : memref<10240xf32, #tpu.memory_space<vmem_shared>> -> memref<640xf32, #tpu.memory_space<vmem_shared>>
      %dma_wait3A_91 = tpu.memref_slice %arg50[%mul3A_46] : memref<10240xf32, #tpu.memory_space<vmem_shared>> -> memref<640xf32, #tpu.memory_space<vmem_shared>>
      tpu.wait_dma2 semaphore(%run_scoped3A : memref<!tpu.dma_semaphore, #tpu.memory_space<semaphore_mem>>) src(%arg28 : memref<640xf32, #tpu.memory_space<vmem>>) dst(%dma_wait3A_91 : memref<640xf32, #tpu.memory_space<vmem_shared>>)
      tpu.yield
    }) : () -> ()
    %add3A_47 = arith.constant 0 : i32
    %add3A_48 = arith.addi %mul3A_2, %add3A_47 : i32
    %dma_wait3A = tpu.memref_slice %arg4[%add3A_48] : memref<320000xi32, #tpu.memory_space<hbm>> -> memref<80xi32, #tpu.memory_space<hbm>>
    %dma_wait3A_49 = tpu.memref_slice %arg4[%add3A_48] : memref<320000xi32, #tpu.memory_space<hbm>> -> memref<80xi32, #tpu.memory_space<hbm>>
    tpu.wait_dma2 semaphore(%arg41 : memref<!tpu.dma_semaphore, #tpu.memory_space<semaphore_mem>>) src(%dma_wait3A_49 : memref<80xi32, #tpu.memory_space<hbm>>) dst(%arg11 : memref<80xi32, #tpu.memory_space<vmem>>)
    %add3A_50 = arith.constant 0 : i32
    %add3A_51 = arith.addi %mul3A_2, %add3A_50 : i32
    %dma_wait3A_52 = tpu.memref_slice %arg3[%add3A_51] : memref<320000xi32, #tpu.memory_space<hbm>> -> memref<80xi32, #tpu.memory_space<hbm>>
    %dma_wait3A_53 = tpu.memref_slice %arg3[%add3A_51] : memref<320000xi32, #tpu.memory_space<hbm>> -> memref<80xi32, #tpu.memory_space<hbm>>
    tpu.wait_dma2 semaphore(%arg41 : memref<!tpu.dma_semaphore, #tpu.memory_space<semaphore_mem>>) src(%dma_wait3A_53 : memref<80xi32, #tpu.memory_space<hbm>>) dst(%arg19 : memref<80xi32, #tpu.memory_space<vmem>>)
    %dma_start3A_54 = arith.constant 0 : i32
    %dma_start3A_55 = arith.constant 0 : i32
    %dma_start3A_56 = tpu.memref_slice %arg2[%dma_start3A_54, %dma_start3A_55] : memref<10000x128xf32, #tpu.memory_space<hbm>> -> memref<10000x128xf32, #tpu.memory_space<hbm>>
    tpu.enqueue_indirect_dma source(%dma_start3A_56 : memref<10000x128xf32, #tpu.memory_space<hbm>>) target(%arg7 : memref<80x128xf32, #tpu.memory_space<vmem>>) offsets(%arg11 : memref<80xi32, #tpu.memory_space<vmem>>) semaphore(%arg29 : memref<!tpu.dma_semaphore, #tpu.memory_space<semaphore_mem>>)
    %add3A_57 = arith.constant 80 : i32
    %add3A_58 = arith.addi %mul3A_2, %add3A_57 : i32
    %dma_wait3A_59 = tpu.memref_slice %arg4[%add3A_58] : memref<320000xi32, #tpu.memory_space<hbm>> -> memref<80xi32, #tpu.memory_space<hbm>>
    %dma_wait3A_60 = tpu.memref_slice %arg4[%add3A_58] : memref<320000xi32, #tpu.memory_space<hbm>> -> memref<80xi32, #tpu.memory_space<hbm>>
    tpu.wait_dma2 semaphore(%arg42 : memref<!tpu.dma_semaphore, #tpu.memory_space<semaphore_mem>>) src(%dma_wait3A_60 : memref<80xi32, #tpu.memory_space<hbm>>) dst(%arg12 : memref<80xi32, #tpu.memory_space<vmem>>)
    %add3A_61 = arith.constant 80 : i32
    %add3A_62 = arith.addi %mul3A_2, %add3A_61 : i32
    %dma_wait3A_63 = tpu.memref_slice %arg3[%add3A_62] : memref<320000xi32, #tpu.memory_space<hbm>> -> memref<80xi32, #tpu.memory_space<hbm>>
    %dma_wait3A_64 = tpu.memref_slice %arg3[%add3A_62] : memref<320000xi32, #tpu.memory_space<hbm>> -> memref<80xi32, #tpu.memory_space<hbm>>
    tpu.wait_dma2 semaphore(%arg42 : memref<!tpu.dma_semaphore, #tpu.memory_space<semaphore_mem>>) src(%dma_wait3A_64 : memref<80xi32, #tpu.memory_space<hbm>>) dst(%arg20 : memref<80xi32, #tpu.memory_space<vmem>>)
    %dma_start3A_65 = arith.constant 0 : i32
    %dma_start3A_66 = arith.constant 0 : i32
    %dma_start3A_67 = tpu.memref_slice %arg2[%dma_start3A_65, %dma_start3A_66] : memref<10000x128xf32, #tpu.memory_space<hbm>> -> memref<10000x128xf32, #tpu.memory_space<hbm>>
    tpu.enqueue_indirect_dma source(%dma_start3A_67 : memref<10000x128xf32, #tpu.memory_space<hbm>>) target(%arg8 : memref<80x128xf32, #tpu.memory_space<vmem>>) offsets(%arg12 : memref<80xi32, #tpu.memory_space<vmem>>) semaphore(%arg30 : memref<!tpu.dma_semaphore, #tpu.memory_space<semaphore_mem>>)
    %barrier3A = arith.constant 0 : index
    tpu.barrier barrier_id(%barrier3A)
    %scan3A_68 = arith.constant 0 : i32
    %scan3A_69 = arith.constant 16 : i32
    %scan3A_70 = arith.addi %scan3A_68, %scan3A_69 : i32
    %scan3A_71 = arith.constant 1 : i32
    scf.for %scan3A_88 = %scan3A_68 to %scan3A_70 step %scan3A_71  : i32 {
      %mul3A_89 = arith.constant 8 : i32
      %mul3A_90 = arith.muli %scan3A_88, %mul3A_89 : i32
      %add3A_91 = arith.constant 0 : i32
      %add3A_92 = arith.addi %add3A_91, %mul3A_90 : i32
      %add3A_93 = arith.constant 0 : i32
      %add3A_94 = arith.addi %add3A_92, %add3A_93 : i32
      %sub3A = arith.constant 2 : i32
      %sub3A_95 = arith.subi %add3A_94, %sub3A : i32
      %ge3A = arith.constant 0 : i32
      %ge3A_96 = arith.cmpi sge, %sub3A_95, %ge3A : i32
      %lt3A = arith.constant 125 : i32
      %lt3A_97 = arith.cmpi slt, %sub3A_95, %lt3A : i32
      %and3A = arith.andi %ge3A_96, %lt3A_97 : i1
      %convert_element_type3A = arith.extui %and3A : i1 to i32
      %cond3A = arith.constant 0 : i32
      %cond3A_98 = arith.cmpi ne, %convert_element_type3A, %cond3A : i32
      scf.if %cond3A_98 {
        %dma_wait3A_317 = arith.constant 0 : i32
        %dma_wait3A_318 = arith.constant 0 : i32
        %dma_wait3A_319 = tpu.memref_slice %arg49[%dma_wait3A_317, %dma_wait3A_318] : memref<10240x128xf32, #tpu.memory_space<vmem_shared>> -> memref<10240x128xf32, #tpu.memory_space<vmem_shared>>
        tpu.wait_indirect_dma semaphore(%arg35 : memref<!tpu.dma_semaphore, #tpu.memory_space<semaphore_mem>>) src(%arg9 : memref<80x128xf32, #tpu.memory_space<vmem>>) dst(%dma_wait3A_319 : memref<10240x128xf32, #tpu.memory_space<vmem_shared>>)
        %dma_wait3A_320 = arith.constant 0 : i32
        %dma_wait3A_321 = tpu.memref_slice %arg50[%dma_wait3A_320] : memref<10240xf32, #tpu.memory_space<vmem_shared>> -> memref<10240xf32, #tpu.memory_space<vmem_shared>>
        tpu.wait_indirect_dma semaphore(%arg39 : memref<!tpu.dma_semaphore, #tpu.memory_space<semaphore_mem>>) src(%arg27 : memref<80xf32, #tpu.memory_space<vmem>>) dst(%dma_wait3A_321 : memref<10240xf32, #tpu.memory_space<vmem_shared>>)
      } else {
      }
      %add3A_99 = arith.constant 3 : i32
      %add3A_100 = arith.addi %add3A_94, %add3A_99 : i32
      %lt3A_101 = arith.constant 125 : i32
      %lt3A_102 = arith.cmpi slt, %add3A_100, %lt3A_101 : i32
      %convert_element_type3A_103 = arith.extui %lt3A_102 : i1 to i32
      %cond3A_104 = arith.constant 0 : i32
      %cond3A_105 = arith.cmpi ne, %convert_element_type3A_103, %cond3A_104 : i32
      scf.if %cond3A_105 {
        %add3A_317 = arith.constant 3 : i32
        %add3A_318 = arith.addi %add3A_94, %add3A_317 : i32
        %mul3A_319 = arith.constant 80 : i32
        %mul3A_320 = arith.muli %add3A_318, %mul3A_319 : i32
        %add3A_321 = arith.addi %mul3A_2, %mul3A_320 : i32
        %dma_start3A_322 = tpu.memref_slice %arg4[%add3A_321] : memref<320000xi32, #tpu.memory_space<hbm>> -> memref<80xi32, #tpu.memory_space<hbm>>
        %dma_start3A_323 = tpu.memref_slice %arg4[%add3A_321] : memref<320000xi32, #tpu.memory_space<hbm>> -> memref<80xi32, #tpu.memory_space<hbm>>
        tpu.enqueue_dma source(%dma_start3A_323 : memref<80xi32, #tpu.memory_space<hbm>>) target(%arg14 : memref<80xi32, #tpu.memory_space<vmem>>) target_semaphore(%arg44 : memref<!tpu.dma_semaphore, #tpu.memory_space<semaphore_mem>>)
        %mul3A_324 = arith.constant 80 : i32
        %mul3A_325 = arith.muli %add3A_318, %mul3A_324 : i32
        %add3A_326 = arith.addi %mul3A_2, %mul3A_325 : i32
        %dma_start3A_327 = tpu.memref_slice %arg3[%add3A_326] : memref<320000xi32, #tpu.memory_space<hbm>> -> memref<80xi32, #tpu.memory_space<hbm>>
        %dma_start3A_328 = tpu.memref_slice %arg3[%add3A_326] : memref<320000xi32, #tpu.memory_space<hbm>> -> memref<80xi32, #tpu.memory_space<hbm>>
        tpu.enqueue_dma source(%dma_start3A_328 : memref<80xi32, #tpu.memory_space<hbm>>) target(%arg22 : memref<80xi32, #tpu.memory_space<vmem>>) target_semaphore(%arg44 : memref<!tpu.dma_semaphore, #tpu.memory_space<semaphore_mem>>)
      } else {
      }
      %add3A_106 = arith.constant 2 : i32
      %add3A_107 = arith.addi %add3A_94, %add3A_106 : i32
      %lt3A_108 = arith.constant 125 : i32
      %lt3A_109 = arith.cmpi slt, %add3A_107, %lt3A_108 : i32
      %convert_element_type3A_110 = arith.extui %lt3A_109 : i1 to i32
      %cond3A_111 = arith.constant 0 : i32
      %cond3A_112 = arith.cmpi ne, %convert_element_type3A_110, %cond3A_111 : i32
      scf.if %cond3A_112 {
        %add3A_317 = arith.constant 2 : i32
        %add3A_318 = arith.addi %add3A_94, %add3A_317 : i32
        %mul3A_319 = arith.constant 80 : i32
        %mul3A_320 = arith.muli %add3A_318, %mul3A_319 : i32
        %add3A_321 = arith.addi %mul3A_2, %mul3A_320 : i32
        %dma_wait3A_322 = tpu.memref_slice %arg4[%add3A_321] : memref<320000xi32, #tpu.memory_space<hbm>> -> memref<80xi32, #tpu.memory_space<hbm>>
        %dma_wait3A_323 = tpu.memref_slice %arg4[%add3A_321] : memref<320000xi32, #tpu.memory_space<hbm>> -> memref<80xi32, #tpu.memory_space<hbm>>
        tpu.wait_dma2 semaphore(%arg43 : memref<!tpu.dma_semaphore, #tpu.memory_space<semaphore_mem>>) src(%dma_wait3A_323 : memref<80xi32, #tpu.memory_space<hbm>>) dst(%arg13 : memref<80xi32, #tpu.memory_space<vmem>>)
        %mul3A_324 = arith.constant 80 : i32
        %mul3A_325 = arith.muli %add3A_318, %mul3A_324 : i32
        %add3A_326 = arith.addi %mul3A_2, %mul3A_325 : i32
        %dma_wait3A_327 = tpu.memref_slice %arg3[%add3A_326] : memref<320000xi32, #tpu.memory_space<hbm>> -> memref<80xi32, #tpu.memory_space<hbm>>
        %dma_wait3A_328 = tpu.memref_slice %arg3[%add3A_326] : memref<320000xi32, #tpu.memory_space<hbm>> -> memref<80xi32, #tpu.memory_space<hbm>>
        tpu.wait_dma2 semaphore(%arg43 : memref<!tpu.dma_semaphore, #tpu.memory_space<semaphore_mem>>) src(%dma_wait3A_328 : memref<80xi32, #tpu.memory_space<hbm>>) dst(%arg21 : memref<80xi32, #tpu.memory_space<vmem>>)
        %dma_start3A_329 = arith.constant 0 : i32
        %dma_start3A_330 = arith.constant 0 : i32
        %dma_start3A_331 = tpu.memref_slice %arg2[%dma_start3A_329, %dma_start3A_330] : memref<10000x128xf32, #tpu.memory_space<hbm>> -> memref<10000x128xf32, #tpu.memory_space<hbm>>
        tpu.enqueue_indirect_dma source(%dma_start3A_331 : memref<10000x128xf32, #tpu.memory_space<hbm>>) target(%arg9 : memref<80x128xf32, #tpu.memory_space<vmem>>) offsets(%arg13 : memref<80xi32, #tpu.memory_space<vmem>>) semaphore(%arg31 : memref<!tpu.dma_semaphore, #tpu.memory_space<semaphore_mem>>)
      } else {
      }
      %lt3A_113 = arith.constant 125 : i32
      %lt3A_114 = arith.cmpi slt, %add3A_94, %lt3A_113 : i32
      %convert_element_type3A_115 = arith.extui %lt3A_114 : i1 to i32
      %cond3A_116 = arith.constant 0 : i32
      %cond3A_117 = arith.cmpi ne, %convert_element_type3A_115, %cond3A_116 : i32
      scf.if %cond3A_117 {
        %dma_wait3A_317 = arith.constant 0 : i32
        %dma_wait3A_318 = arith.constant 0 : i32
        %dma_wait3A_319 = tpu.memref_slice %arg2[%dma_wait3A_317, %dma_wait3A_318] : memref<10000x128xf32, #tpu.memory_space<hbm>> -> memref<10000x128xf32, #tpu.memory_space<hbm>>
        tpu.wait_indirect_dma semaphore(%arg29 : memref<!tpu.dma_semaphore, #tpu.memory_space<semaphore_mem>>) src(%dma_wait3A_319 : memref<10000x128xf32, #tpu.memory_space<hbm>>) dst(%arg7 : memref<80x128xf32, #tpu.memory_space<vmem>>)
        %dma_start3A_320 = arith.constant 0 : i32
        %dma_start3A_321 = arith.constant 0 : i32
        %dma_start3A_322 = tpu.memref_slice %arg49[%dma_start3A_320, %dma_start3A_321] : memref<10240x128xf32, #tpu.memory_space<vmem_shared>> -> memref<10240x128xf32, #tpu.memory_space<vmem_shared>>
        tpu.enqueue_indirect_dma source(%arg7 : memref<80x128xf32, #tpu.memory_space<vmem>>) target(%dma_start3A_322 : memref<10240x128xf32, #tpu.memory_space<vmem_shared>>) offsets(%arg19 : memref<80xi32, #tpu.memory_space<vmem>>) semaphore(%arg33 : memref<!tpu.dma_semaphore, #tpu.memory_space<semaphore_mem>>) {add = true}
        %dma_start3A_323 = arith.constant 0 : i32
        %dma_start3A_324 = tpu.memref_slice %arg50[%dma_start3A_323] : memref<10240xf32, #tpu.memory_space<vmem_shared>> -> memref<10240xf32, #tpu.memory_space<vmem_shared>>
        tpu.enqueue_indirect_dma source(%arg27 : memref<80xf32, #tpu.memory_space<vmem>>) target(%dma_start3A_324 : memref<10240xf32, #tpu.memory_space<vmem_shared>>) offsets(%arg19 : memref<80xi32, #tpu.memory_space<vmem>>) semaphore(%arg37 : memref<!tpu.dma_semaphore, #tpu.memory_space<semaphore_mem>>) {add = true}
      } else {
      }
      %add3A_118 = arith.constant 1 : i32
      %add3A_119 = arith.addi %add3A_92, %add3A_118 : i32
      %sub3A_120 = arith.constant 2 : i32
      %sub3A_121 = arith.subi %add3A_119, %sub3A_120 : i32
      %ge3A_122 = arith.constant 0 : i32
      %ge3A_123 = arith.cmpi sge, %sub3A_121, %ge3A_122 : i32
      %lt3A_124 = arith.constant 125 : i32
      %lt3A_125 = arith.cmpi slt, %sub3A_121, %lt3A_124 : i32
      %and3A_126 = arith.andi %ge3A_123, %lt3A_125 : i1
      %convert_element_type3A_127 = arith.extui %and3A_126 : i1 to i32
      %cond3A_128 = arith.constant 0 : i32
      %cond3A_129 = arith.cmpi ne, %convert_element_type3A_127, %cond3A_128 : i32
      scf.if %cond3A_129 {
        %dma_wait3A_317 = arith.constant 0 : i32
        %dma_wait3A_318 = arith.constant 0 : i32
        %dma_wait3A_319 = tpu.memref_slice %arg49[%dma_wait3A_317, %dma_wait3A_318] : memref<10240x128xf32, #tpu.memory_space<vmem_shared>> -> memref<10240x128xf32, #tpu.memory_space<vmem_shared>>
        tpu.wait_indirect_dma semaphore(%arg36 : memref<!tpu.dma_semaphore, #tpu.memory_space<semaphore_mem>>) src(%arg10 : memref<80x128xf32, #tpu.memory_space<vmem>>) dst(%dma_wait3A_319 : memref<10240x128xf32, #tpu.memory_space<vmem_shared>>)
        %dma_wait3A_320 = arith.constant 0 : i32
        %dma_wait3A_321 = tpu.memref_slice %arg50[%dma_wait3A_320] : memref<10240xf32, #tpu.memory_space<vmem_shared>> -> memref<10240xf32, #tpu.memory_space<vmem_shared>>
        tpu.wait_indirect_dma semaphore(%arg40 : memref<!tpu.dma_semaphore, #tpu.memory_space<semaphore_mem>>) src(%arg27 : memref<80xf32, #tpu.memory_space<vmem>>) dst(%dma_wait3A_321 : memref<10240xf32, #tpu.memory_space<vmem_shared>>)
      } else {
      }
      %add3A_130 = arith.constant 3 : i32
      %add3A_131 = arith.addi %add3A_119, %add3A_130 : i32
      %lt3A_132 = arith.constant 125 : i32
      %lt3A_133 = arith.cmpi slt, %add3A_131, %lt3A_132 : i32
      %convert_element_type3A_134 = arith.extui %lt3A_133 : i1 to i32
      %cond3A_135 = arith.constant 0 : i32
      %cond3A_136 = arith.cmpi ne, %convert_element_type3A_134, %cond3A_135 : i32
      scf.if %cond3A_136 {
        %add3A_317 = arith.constant 3 : i32
        %add3A_318 = arith.addi %add3A_119, %add3A_317 : i32
        %mul3A_319 = arith.constant 80 : i32
        %mul3A_320 = arith.muli %add3A_318, %mul3A_319 : i32
        %add3A_321 = arith.addi %mul3A_2, %mul3A_320 : i32
        %dma_start3A_322 = tpu.memref_slice %arg4[%add3A_321] : memref<320000xi32, #tpu.memory_space<hbm>> -> memref<80xi32, #tpu.memory_space<hbm>>
        %dma_start3A_323 = tpu.memref_slice %arg4[%add3A_321] : memref<320000xi32, #tpu.memory_space<hbm>> -> memref<80xi32, #tpu.memory_space<hbm>>
        tpu.enqueue_dma source(%dma_start3A_323 : memref<80xi32, #tpu.memory_space<hbm>>) target(%arg15 : memref<80xi32, #tpu.memory_space<vmem>>) target_semaphore(%arg45 : memref<!tpu.dma_semaphore, #tpu.memory_space<semaphore_mem>>)
        %mul3A_324 = arith.constant 80 : i32
        %mul3A_325 = arith.muli %add3A_318, %mul3A_324 : i32
        %add3A_326 = arith.addi %mul3A_2, %mul3A_325 : i32
        %dma_start3A_327 = tpu.memref_slice %arg3[%add3A_326] : memref<320000xi32, #tpu.memory_space<hbm>> -> memref<80xi32, #tpu.memory_space<hbm>>
        %dma_start3A_328 = tpu.memref_slice %arg3[%add3A_326] : memref<320000xi32, #tpu.memory_space<hbm>> -> memref<80xi32, #tpu.memory_space<hbm>>
        tpu.enqueue_dma source(%dma_start3A_328 : memref<80xi32, #tpu.memory_space<hbm>>) target(%arg23 : memref<80xi32, #tpu.memory_space<vmem>>) target_semaphore(%arg45 : memref<!tpu.dma_semaphore, #tpu.memory_space<semaphore_mem>>)
      } else {
      }
      %add3A_137 = arith.constant 2 : i32
      %add3A_138 = arith.addi %add3A_119, %add3A_137 : i32
      %lt3A_139 = arith.constant 125 : i32
      %lt3A_140 = arith.cmpi slt, %add3A_138, %lt3A_139 : i32
      %convert_element_type3A_141 = arith.extui %lt3A_140 : i1 to i32
      %cond3A_142 = arith.constant 0 : i32
      %cond3A_143 = arith.cmpi ne, %convert_element_type3A_141, %cond3A_142 : i32
      scf.if %cond3A_143 {
        %add3A_317 = arith.constant 2 : i32
        %add3A_318 = arith.addi %add3A_119, %add3A_317 : i32
        %mul3A_319 = arith.constant 80 : i32
        %mul3A_320 = arith.muli %add3A_318, %mul3A_319 : i32
        %add3A_321 = arith.addi %mul3A_2, %mul3A_320 : i32
        %dma_wait3A_322 = tpu.memref_slice %arg4[%add3A_321] : memref<320000xi32, #tpu.memory_space<hbm>> -> memref<80xi32, #tpu.memory_space<hbm>>
        %dma_wait3A_323 = tpu.memref_slice %arg4[%add3A_321] : memref<320000xi32, #tpu.memory_space<hbm>> -> memref<80xi32, #tpu.memory_space<hbm>>
        tpu.wait_dma2 semaphore(%arg44 : memref<!tpu.dma_semaphore, #tpu.memory_space<semaphore_mem>>) src(%dma_wait3A_323 : memref<80xi32, #tpu.memory_space<hbm>>) dst(%arg14 : memref<80xi32, #tpu.memory_space<vmem>>)
        %mul3A_324 = arith.constant 80 : i32
        %mul3A_325 = arith.muli %add3A_318, %mul3A_324 : i32
        %add3A_326 = arith.addi %mul3A_2, %mul3A_325 : i32
        %dma_wait3A_327 = tpu.memref_slice %arg3[%add3A_326] : memref<320000xi32, #tpu.memory_space<hbm>> -> memref<80xi32, #tpu.memory_space<hbm>>
        %dma_wait3A_328 = tpu.memref_slice %arg3[%add3A_326] : memref<320000xi32, #tpu.memory_space<hbm>> -> memref<80xi32, #tpu.memory_space<hbm>>
        tpu.wait_dma2 semaphore(%arg44 : memref<!tpu.dma_semaphore, #tpu.memory_space<semaphore_mem>>) src(%dma_wait3A_328 : memref<80xi32, #tpu.memory_space<hbm>>) dst(%arg22 : memref<80xi32, #tpu.memory_space<vmem>>)
        %dma_start3A_329 = arith.constant 0 : i32
        %dma_start3A_330 = arith.constant 0 : i32
        %dma_start3A_331 = tpu.memref_slice %arg2[%dma_start3A_329, %dma_start3A_330] : memref<10000x128xf32, #tpu.memory_space<hbm>> -> memref<10000x128xf32, #tpu.memory_space<hbm>>
        tpu.enqueue_indirect_dma source(%dma_start3A_331 : memref<10000x128xf32, #tpu.memory_space<hbm>>) target(%arg10 : memref<80x128xf32, #tpu.memory_space<vmem>>) offsets(%arg14 : memref<80xi32, #tpu.memory_space<vmem>>) semaphore(%arg32 : memref<!tpu.dma_semaphore, #tpu.memory_space<semaphore_mem>>)
      } else {
      }
      %lt3A_144 = arith.constant 125 : i32
      %lt3A_145 = arith.cmpi slt, %add3A_119, %lt3A_144 : i32
      %convert_element_type3A_146 = arith.extui %lt3A_145 : i1 to i32
      %cond3A_147 = arith.constant 0 : i32
      %cond3A_148 = arith.cmpi ne, %convert_element_type3A_146, %cond3A_147 : i32
      scf.if %cond3A_148 {
        %dma_wait3A_317 = arith.constant 0 : i32
        %dma_wait3A_318 = arith.constant 0 : i32
        %dma_wait3A_319 = tpu.memref_slice %arg2[%dma_wait3A_317, %dma_wait3A_318] : memref<10000x128xf32, #tpu.memory_space<hbm>> -> memref<10000x128xf32, #tpu.memory_space<hbm>>
        tpu.wait_indirect_dma semaphore(%arg30 : memref<!tpu.dma_semaphore, #tpu.memory_space<semaphore_mem>>) src(%dma_wait3A_319 : memref<10000x128xf32, #tpu.memory_space<hbm>>) dst(%arg8 : memref<80x128xf32, #tpu.memory_space<vmem>>)
        %dma_start3A_320 = arith.constant 0 : i32
        %dma_start3A_321 = arith.constant 0 : i32
        %dma_start3A_322 = tpu.memref_slice %arg49[%dma_start3A_320, %dma_start3A_321] : memref<10240x128xf32, #tpu.memory_space<vmem_shared>> -> memref<10240x128xf32, #tpu.memory_space<vmem_shared>>
        tpu.enqueue_indirect_dma source(%arg8 : memref<80x128xf32, #tpu.memory_space<vmem>>) target(%dma_start3A_322 : memref<10240x128xf32, #tpu.memory_space<vmem_shared>>) offsets(%arg20 : memref<80xi32, #tpu.memory_space<vmem>>) semaphore(%arg34 : memref<!tpu.dma_semaphore, #tpu.memory_space<semaphore_mem>>) {add = true}
        %dma_start3A_323 = arith.constant 0 : i32
        %dma_start3A_324 = tpu.memref_slice %arg50[%dma_start3A_323] : memref<10240xf32, #tpu.memory_space<vmem_shared>> -> memref<10240xf32, #tpu.memory_space<vmem_shared>>
        tpu.enqueue_indirect_dma source(%arg27 : memref<80xf32, #tpu.memory_space<vmem>>) target(%dma_start3A_324 : memref<10240xf32, #tpu.memory_space<vmem_shared>>) offsets(%arg20 : memref<80xi32, #tpu.memory_space<vmem>>) semaphore(%arg38 : memref<!tpu.dma_semaphore, #tpu.memory_space<semaphore_mem>>) {add = true}
      } else {
      }
      %add3A_149 = arith.constant 2 : i32
      %add3A_150 = arith.addi %add3A_92, %add3A_149 : i32
      %sub3A_151 = arith.constant 2 : i32
      %sub3A_152 = arith.subi %add3A_150, %sub3A_151 : i32
      %lt3A_153 = arith.constant 125 : i32
      %lt3A_154 = arith.cmpi slt, %sub3A_152, %lt3A_153 : i32
      %convert_element_type3A_155 = arith.extui %lt3A_154 : i1 to i32
      %cond3A_156 = arith.constant 0 : i32
      %cond3A_157 = arith.cmpi ne, %convert_element_type3A_155, %cond3A_156 : i32
      scf.if %cond3A_157 {
        %dma_wait3A_317 = arith.constant 0 : i32
        %dma_wait3A_318 = arith.constant 0 : i32
        %dma_wait3A_319 = tpu.memref_slice %arg49[%dma_wait3A_317, %dma_wait3A_318] : memref<10240x128xf32, #tpu.memory_space<vmem_shared>> -> memref<10240x128xf32, #tpu.memory_space<vmem_shared>>
        tpu.wait_indirect_dma semaphore(%arg33 : memref<!tpu.dma_semaphore, #tpu.memory_space<semaphore_mem>>) src(%arg7 : memref<80x128xf32, #tpu.memory_space<vmem>>) dst(%dma_wait3A_319 : memref<10240x128xf32, #tpu.memory_space<vmem_shared>>)
        %dma_wait3A_320 = arith.constant 0 : i32
        %dma_wait3A_321 = tpu.memref_slice %arg50[%dma_wait3A_320] : memref<10240xf32, #tpu.memory_space<vmem_shared>> -> memref<10240xf32, #tpu.memory_space<vmem_shared>>
        tpu.wait_indirect_dma semaphore(%arg37 : memref<!tpu.dma_semaphore, #tpu.memory_space<semaphore_mem>>) src(%arg27 : memref<80xf32, #tpu.memory_space<vmem>>) dst(%dma_wait3A_321 : memref<10240xf32, #tpu.memory_space<vmem_shared>>)
      } else {
      }
      %add3A_158 = arith.constant 3 : i32
      %add3A_159 = arith.addi %add3A_150, %add3A_158 : i32
      %lt3A_160 = arith.constant 125 : i32
      %lt3A_161 = arith.cmpi slt, %add3A_159, %lt3A_160 : i32
      %convert_element_type3A_162 = arith.extui %lt3A_161 : i1 to i32
      %cond3A_163 = arith.constant 0 : i32
      %cond3A_164 = arith.cmpi ne, %convert_element_type3A_162, %cond3A_163 : i32
      scf.if %cond3A_164 {
        %add3A_317 = arith.constant 3 : i32
        %add3A_318 = arith.addi %add3A_150, %add3A_317 : i32
        %mul3A_319 = arith.constant 80 : i32
        %mul3A_320 = arith.muli %add3A_318, %mul3A_319 : i32
        %add3A_321 = arith.addi %mul3A_2, %mul3A_320 : i32
        %dma_start3A_322 = tpu.memref_slice %arg4[%add3A_321] : memref<320000xi32, #tpu.memory_space<hbm>> -> memref<80xi32, #tpu.memory_space<hbm>>
        %dma_start3A_323 = tpu.memref_slice %arg4[%add3A_321] : memref<320000xi32, #tpu.memory_space<hbm>> -> memref<80xi32, #tpu.memory_space<hbm>>
        tpu.enqueue_dma source(%dma_start3A_323 : memref<80xi32, #tpu.memory_space<hbm>>) target(%arg16 : memref<80xi32, #tpu.memory_space<vmem>>) target_semaphore(%arg46 : memref<!tpu.dma_semaphore, #tpu.memory_space<semaphore_mem>>)
        %mul3A_324 = arith.constant 80 : i32
        %mul3A_325 = arith.muli %add3A_318, %mul3A_324 : i32
        %add3A_326 = arith.addi %mul3A_2, %mul3A_325 : i32
        %dma_start3A_327 = tpu.memref_slice %arg3[%add3A_326] : memref<320000xi32, #tpu.memory_space<hbm>> -> memref<80xi32, #tpu.memory_space<hbm>>
        %dma_start3A_328 = tpu.memref_slice %arg3[%add3A_326] : memref<320000xi32, #tpu.memory_space<hbm>> -> memref<80xi32, #tpu.memory_space<hbm>>
        tpu.enqueue_dma source(%dma_start3A_328 : memref<80xi32, #tpu.memory_space<hbm>>) target(%arg24 : memref<80xi32, #tpu.memory_space<vmem>>) target_semaphore(%arg46 : memref<!tpu.dma_semaphore, #tpu.memory_space<semaphore_mem>>)
      } else {
      }
      %add3A_165 = arith.constant 2 : i32
      %add3A_166 = arith.addi %add3A_150, %add3A_165 : i32
      %lt3A_167 = arith.constant 125 : i32
      %lt3A_168 = arith.cmpi slt, %add3A_166, %lt3A_167 : i32
      %convert_element_type3A_169 = arith.extui %lt3A_168 : i1 to i32
      %cond3A_170 = arith.constant 0 : i32
      %cond3A_171 = arith.cmpi ne, %convert_element_type3A_169, %cond3A_170 : i32
      scf.if %cond3A_171 {
        %add3A_317 = arith.constant 2 : i32
        %add3A_318 = arith.addi %add3A_150, %add3A_317 : i32
        %mul3A_319 = arith.constant 80 : i32
        %mul3A_320 = arith.muli %add3A_318, %mul3A_319 : i32
        %add3A_321 = arith.addi %mul3A_2, %mul3A_320 : i32
        %dma_wait3A_322 = tpu.memref_slice %arg4[%add3A_321] : memref<320000xi32, #tpu.memory_space<hbm>> -> memref<80xi32, #tpu.memory_space<hbm>>
        %dma_wait3A_323 = tpu.memref_slice %arg4[%add3A_321] : memref<320000xi32, #tpu.memory_space<hbm>> -> memref<80xi32, #tpu.memory_space<hbm>>
        tpu.wait_dma2 semaphore(%arg45 : memref<!tpu.dma_semaphore, #tpu.memory_space<semaphore_mem>>) src(%dma_wait3A_323 : memref<80xi32, #tpu.memory_space<hbm>>) dst(%arg15 : memref<80xi32, #tpu.memory_space<vmem>>)
        %mul3A_324 = arith.constant 80 : i32
        %mul3A_325 = arith.muli %add3A_318, %mul3A_324 : i32
        %add3A_326 = arith.addi %mul3A_2, %mul3A_325 : i32
        %dma_wait3A_327 = tpu.memref_slice %arg3[%add3A_326] : memref<320000xi32, #tpu.memory_space<hbm>> -> memref<80xi32, #tpu.memory_space<hbm>>
        %dma_wait3A_328 = tpu.memref_slice %arg3[%add3A_326] : memref<320000xi32, #tpu.memory_space<hbm>> -> memref<80xi32, #tpu.memory_space<hbm>>
        tpu.wait_dma2 semaphore(%arg45 : memref<!tpu.dma_semaphore, #tpu.memory_space<semaphore_mem>>) src(%dma_wait3A_328 : memref<80xi32, #tpu.memory_space<hbm>>) dst(%arg23 : memref<80xi32, #tpu.memory_space<vmem>>)
        %dma_start3A_329 = arith.constant 0 : i32
        %dma_start3A_330 = arith.constant 0 : i32
        %dma_start3A_331 = tpu.memref_slice %arg2[%dma_start3A_329, %dma_start3A_330] : memref<10000x128xf32, #tpu.memory_space<hbm>> -> memref<10000x128xf32, #tpu.memory_space<hbm>>
        tpu.enqueue_indirect_dma source(%dma_start3A_331 : memref<10000x128xf32, #tpu.memory_space<hbm>>) target(%arg7 : memref<80x128xf32, #tpu.memory_space<vmem>>) offsets(%arg15 : memref<80xi32, #tpu.memory_space<vmem>>) semaphore(%arg29 : memref<!tpu.dma_semaphore, #tpu.memory_space<semaphore_mem>>)
      } else {
      }
      %lt3A_172 = arith.constant 125 : i32
      %lt3A_173 = arith.cmpi slt, %add3A_150, %lt3A_172 : i32
      %convert_element_type3A_174 = arith.extui %lt3A_173 : i1 to i32
      %cond3A_175 = arith.constant 0 : i32
      %cond3A_176 = arith.cmpi ne, %convert_element_type3A_174, %cond3A_175 : i32
      scf.if %cond3A_176 {
        %dma_wait3A_317 = arith.constant 0 : i32
        %dma_wait3A_318 = arith.constant 0 : i32
        %dma_wait3A_319 = tpu.memref_slice %arg2[%dma_wait3A_317, %dma_wait3A_318] : memref<10000x128xf32, #tpu.memory_space<hbm>> -> memref<10000x128xf32, #tpu.memory_space<hbm>>
        tpu.wait_indirect_dma semaphore(%arg31 : memref<!tpu.dma_semaphore, #tpu.memory_space<semaphore_mem>>) src(%dma_wait3A_319 : memref<10000x128xf32, #tpu.memory_space<hbm>>) dst(%arg9 : memref<80x128xf32, #tpu.memory_space<vmem>>)
        %dma_start3A_320 = arith.constant 0 : i32
        %dma_start3A_321 = arith.constant 0 : i32
        %dma_start3A_322 = tpu.memref_slice %arg49[%dma_start3A_320, %dma_start3A_321] : memref<10240x128xf32, #tpu.memory_space<vmem_shared>> -> memref<10240x128xf32, #tpu.memory_space<vmem_shared>>
        tpu.enqueue_indirect_dma source(%arg9 : memref<80x128xf32, #tpu.memory_space<vmem>>) target(%dma_start3A_322 : memref<10240x128xf32, #tpu.memory_space<vmem_shared>>) offsets(%arg21 : memref<80xi32, #tpu.memory_space<vmem>>) semaphore(%arg35 : memref<!tpu.dma_semaphore, #tpu.memory_space<semaphore_mem>>) {add = true}
        %dma_start3A_323 = arith.constant 0 : i32
        %dma_start3A_324 = tpu.memref_slice %arg50[%dma_start3A_323] : memref<10240xf32, #tpu.memory_space<vmem_shared>> -> memref<10240xf32, #tpu.memory_space<vmem_shared>>
        tpu.enqueue_indirect_dma source(%arg27 : memref<80xf32, #tpu.memory_space<vmem>>) target(%dma_start3A_324 : memref<10240xf32, #tpu.memory_space<vmem_shared>>) offsets(%arg21 : memref<80xi32, #tpu.memory_space<vmem>>) semaphore(%arg39 : memref<!tpu.dma_semaphore, #tpu.memory_space<semaphore_mem>>) {add = true}
      } else {
      }
      %add3A_177 = arith.constant 3 : i32
      %add3A_178 = arith.addi %add3A_92, %add3A_177 : i32
      %sub3A_179 = arith.constant 2 : i32
      %sub3A_180 = arith.subi %add3A_178, %sub3A_179 : i32
      %lt3A_181 = arith.constant 125 : i32
      %lt3A_182 = arith.cmpi slt, %sub3A_180, %lt3A_181 : i32
      %convert_element_type3A_183 = arith.extui %lt3A_182 : i1 to i32
      %cond3A_184 = arith.constant 0 : i32
      %cond3A_185 = arith.cmpi ne, %convert_element_type3A_183, %cond3A_184 : i32
      scf.if %cond3A_185 {
        %dma_wait3A_317 = arith.constant 0 : i32
        %dma_wait3A_318 = arith.constant 0 : i32
        %dma_wait3A_319 = tpu.memref_slice %arg49[%dma_wait3A_317, %dma_wait3A_318] : memref<10240x128xf32, #tpu.memory_space<vmem_shared>> -> memref<10240x128xf32, #tpu.memory_space<vmem_shared>>
        tpu.wait_indirect_dma semaphore(%arg34 : memref<!tpu.dma_semaphore, #tpu.memory_space<semaphore_mem>>) src(%arg8 : memref<80x128xf32, #tpu.memory_space<vmem>>) dst(%dma_wait3A_319 : memref<10240x128xf32, #tpu.memory_space<vmem_shared>>)
        %dma_wait3A_320 = arith.constant 0 : i32
        %dma_wait3A_321 = tpu.memref_slice %arg50[%dma_wait3A_320] : memref<10240xf32, #tpu.memory_space<vmem_shared>> -> memref<10240xf32, #tpu.memory_space<vmem_shared>>
        tpu.wait_indirect_dma semaphore(%arg38 : memref<!tpu.dma_semaphore, #tpu.memory_space<semaphore_mem>>) src(%arg27 : memref<80xf32, #tpu.memory_space<vmem>>) dst(%dma_wait3A_321 : memref<10240xf32, #tpu.memory_space<vmem_shared>>)
      } else {
      }
      %add3A_186 = arith.constant 3 : i32
      %add3A_187 = arith.addi %add3A_178, %add3A_186 : i32
      %lt3A_188 = arith.constant 125 : i32
      %lt3A_189 = arith.cmpi slt, %add3A_187, %lt3A_188 : i32
      %convert_element_type3A_190 = arith.extui %lt3A_189 : i1 to i32
      %cond3A_191 = arith.constant 0 : i32
      %cond3A_192 = arith.cmpi ne, %convert_element_type3A_190, %cond3A_191 : i32
      scf.if %cond3A_192 {
        %add3A_317 = arith.constant 3 : i32
        %add3A_318 = arith.addi %add3A_178, %add3A_317 : i32
        %mul3A_319 = arith.constant 80 : i32
        %mul3A_320 = arith.muli %add3A_318, %mul3A_319 : i32
        %add3A_321 = arith.addi %mul3A_2, %mul3A_320 : i32
        %dma_start3A_322 = tpu.memref_slice %arg4[%add3A_321] : memref<320000xi32, #tpu.memory_space<hbm>> -> memref<80xi32, #tpu.memory_space<hbm>>
        %dma_start3A_323 = tpu.memref_slice %arg4[%add3A_321] : memref<320000xi32, #tpu.memory_space<hbm>> -> memref<80xi32, #tpu.memory_space<hbm>>
        tpu.enqueue_dma source(%dma_start3A_323 : memref<80xi32, #tpu.memory_space<hbm>>) target(%arg17 : memref<80xi32, #tpu.memory_space<vmem>>) target_semaphore(%arg47 : memref<!tpu.dma_semaphore, #tpu.memory_space<semaphore_mem>>)
        %mul3A_324 = arith.constant 80 : i32
        %mul3A_325 = arith.muli %add3A_318, %mul3A_324 : i32
        %add3A_326 = arith.addi %mul3A_2, %mul3A_325 : i32
        %dma_start3A_327 = tpu.memref_slice %arg3[%add3A_326] : memref<320000xi32, #tpu.memory_space<hbm>> -> memref<80xi32, #tpu.memory_space<hbm>>
        %dma_start3A_328 = tpu.memref_slice %arg3[%add3A_326] : memref<320000xi32, #tpu.memory_space<hbm>> -> memref<80xi32, #tpu.memory_space<hbm>>
        tpu.enqueue_dma source(%dma_start3A_328 : memref<80xi32, #tpu.memory_space<hbm>>) target(%arg25 : memref<80xi32, #tpu.memory_space<vmem>>) target_semaphore(%arg47 : memref<!tpu.dma_semaphore, #tpu.memory_space<semaphore_mem>>)
      } else {
      }
      %add3A_193 = arith.constant 2 : i32
      %add3A_194 = arith.addi %add3A_178, %add3A_193 : i32
      %lt3A_195 = arith.constant 125 : i32
      %lt3A_196 = arith.cmpi slt, %add3A_194, %lt3A_195 : i32
      %convert_element_type3A_197 = arith.extui %lt3A_196 : i1 to i32
      %cond3A_198 = arith.constant 0 : i32
      %cond3A_199 = arith.cmpi ne, %convert_element_type3A_197, %cond3A_198 : i32
      scf.if %cond3A_199 {
        %add3A_317 = arith.constant 2 : i32
        %add3A_318 = arith.addi %add3A_178, %add3A_317 : i32
        %mul3A_319 = arith.constant 80 : i32
        %mul3A_320 = arith.muli %add3A_318, %mul3A_319 : i32
        %add3A_321 = arith.addi %mul3A_2, %mul3A_320 : i32
        %dma_wait3A_322 = tpu.memref_slice %arg4[%add3A_321] : memref<320000xi32, #tpu.memory_space<hbm>> -> memref<80xi32, #tpu.memory_space<hbm>>
        %dma_wait3A_323 = tpu.memref_slice %arg4[%add3A_321] : memref<320000xi32, #tpu.memory_space<hbm>> -> memref<80xi32, #tpu.memory_space<hbm>>
        tpu.wait_dma2 semaphore(%arg46 : memref<!tpu.dma_semaphore, #tpu.memory_space<semaphore_mem>>) src(%dma_wait3A_323 : memref<80xi32, #tpu.memory_space<hbm>>) dst(%arg16 : memref<80xi32, #tpu.memory_space<vmem>>)
        %mul3A_324 = arith.constant 80 : i32
        %mul3A_325 = arith.muli %add3A_318, %mul3A_324 : i32
        %add3A_326 = arith.addi %mul3A_2, %mul3A_325 : i32
        %dma_wait3A_327 = tpu.memref_slice %arg3[%add3A_326] : memref<320000xi32, #tpu.memory_space<hbm>> -> memref<80xi32, #tpu.memory_space<hbm>>
        %dma_wait3A_328 = tpu.memref_slice %arg3[%add3A_326] : memref<320000xi32, #tpu.memory_space<hbm>> -> memref<80xi32, #tpu.memory_space<hbm>>
        tpu.wait_dma2 semaphore(%arg46 : memref<!tpu.dma_semaphore, #tpu.memory_space<semaphore_mem>>) src(%dma_wait3A_328 : memref<80xi32, #tpu.memory_space<hbm>>) dst(%arg24 : memref<80xi32, #tpu.memory_space<vmem>>)
        %dma_start3A_329 = arith.constant 0 : i32
        %dma_start3A_330 = arith.constant 0 : i32
        %dma_start3A_331 = tpu.memref_slice %arg2[%dma_start3A_329, %dma_start3A_330] : memref<10000x128xf32, #tpu.memory_space<hbm>> -> memref<10000x128xf32, #tpu.memory_space<hbm>>
        tpu.enqueue_indirect_dma source(%dma_start3A_331 : memref<10000x128xf32, #tpu.memory_space<hbm>>) target(%arg8 : memref<80x128xf32, #tpu.memory_space<vmem>>) offsets(%arg16 : memref<80xi32, #tpu.memory_space<vmem>>) semaphore(%arg30 : memref<!tpu.dma_semaphore, #tpu.memory_space<semaphore_mem>>)
      } else {
      }
      %lt3A_200 = arith.constant 125 : i32
      %lt3A_201 = arith.cmpi slt, %add3A_178, %lt3A_200 : i32
      %convert_element_type3A_202 = arith.extui %lt3A_201 : i1 to i32
      %cond3A_203 = arith.constant 0 : i32
      %cond3A_204 = arith.cmpi ne, %convert_element_type3A_202, %cond3A_203 : i32
      scf.if %cond3A_204 {
        %dma_wait3A_317 = arith.constant 0 : i32
        %dma_wait3A_318 = arith.constant 0 : i32
        %dma_wait3A_319 = tpu.memref_slice %arg2[%dma_wait3A_317, %dma_wait3A_318] : memref<10000x128xf32, #tpu.memory_space<hbm>> -> memref<10000x128xf32, #tpu.memory_space<hbm>>
        tpu.wait_indirect_dma semaphore(%arg32 : memref<!tpu.dma_semaphore, #tpu.memory_space<semaphore_mem>>) src(%dma_wait3A_319 : memref<10000x128xf32, #tpu.memory_space<hbm>>) dst(%arg10 : memref<80x128xf32, #tpu.memory_space<vmem>>)
        %dma_start3A_320 = arith.constant 0 : i32
        %dma_start3A_321 = arith.constant 0 : i32
        %dma_start3A_322 = tpu.memref_slice %arg49[%dma_start3A_320, %dma_start3A_321] : memref<10240x128xf32, #tpu.memory_space<vmem_shared>> -> memref<10240x128xf32, #tpu.memory_space<vmem_shared>>
        tpu.enqueue_indirect_dma source(%arg10 : memref<80x128xf32, #tpu.memory_space<vmem>>) target(%dma_start3A_322 : memref<10240x128xf32, #tpu.memory_space<vmem_shared>>) offsets(%arg22 : memref<80xi32, #tpu.memory_space<vmem>>) semaphore(%arg36 : memref<!tpu.dma_semaphore, #tpu.memory_space<semaphore_mem>>) {add = true}
        %dma_start3A_323 = arith.constant 0 : i32
        %dma_start3A_324 = tpu.memref_slice %arg50[%dma_start3A_323] : memref<10240xf32, #tpu.memory_space<vmem_shared>> -> memref<10240xf32, #tpu.memory_space<vmem_shared>>
        tpu.enqueue_indirect_dma source(%arg27 : memref<80xf32, #tpu.memory_space<vmem>>) target(%dma_start3A_324 : memref<10240xf32, #tpu.memory_space<vmem_shared>>) offsets(%arg22 : memref<80xi32, #tpu.memory_space<vmem>>) semaphore(%arg40 : memref<!tpu.dma_semaphore, #tpu.memory_space<semaphore_mem>>) {add = true}
      } else {
      }
      %add3A_205 = arith.constant 4 : i32
      %add3A_206 = arith.addi %add3A_92, %add3A_205 : i32
      %sub3A_207 = arith.constant 2 : i32
      %sub3A_208 = arith.subi %add3A_206, %sub3A_207 : i32
      %lt3A_209 = arith.constant 125 : i32
      %lt3A_210 = arith.cmpi slt, %sub3A_208, %lt3A_209 : i32
      %convert_element_type3A_211 = arith.extui %lt3A_210 : i1 to i32
      %cond3A_212 = arith.constant 0 : i32
      %cond3A_213 = arith.cmpi ne, %convert_element_type3A_211, %cond3A_212 : i32
      scf.if %cond3A_213 {
        %dma_wait3A_317 = arith.constant 0 : i32
        %dma_wait3A_318 = arith.constant 0 : i32
        %dma_wait3A_319 = tpu.memref_slice %arg49[%dma_wait3A_317, %dma_wait3A_318] : memref<10240x128xf32, #tpu.memory_space<vmem_shared>> -> memref<10240x128xf32, #tpu.memory_space<vmem_shared>>
        tpu.wait_indirect_dma semaphore(%arg35 : memref<!tpu.dma_semaphore, #tpu.memory_space<semaphore_mem>>) src(%arg9 : memref<80x128xf32, #tpu.memory_space<vmem>>) dst(%dma_wait3A_319 : memref<10240x128xf32, #tpu.memory_space<vmem_shared>>)
        %dma_wait3A_320 = arith.constant 0 : i32
        %dma_wait3A_321 = tpu.memref_slice %arg50[%dma_wait3A_320] : memref<10240xf32, #tpu.memory_space<vmem_shared>> -> memref<10240xf32, #tpu.memory_space<vmem_shared>>
        tpu.wait_indirect_dma semaphore(%arg39 : memref<!tpu.dma_semaphore, #tpu.memory_space<semaphore_mem>>) src(%arg27 : memref<80xf32, #tpu.memory_space<vmem>>) dst(%dma_wait3A_321 : memref<10240xf32, #tpu.memory_space<vmem_shared>>)
      } else {
      }
      %add3A_214 = arith.constant 3 : i32
      %add3A_215 = arith.addi %add3A_206, %add3A_214 : i32
      %lt3A_216 = arith.constant 125 : i32
      %lt3A_217 = arith.cmpi slt, %add3A_215, %lt3A_216 : i32
      %convert_element_type3A_218 = arith.extui %lt3A_217 : i1 to i32
      %cond3A_219 = arith.constant 0 : i32
      %cond3A_220 = arith.cmpi ne, %convert_element_type3A_218, %cond3A_219 : i32
      scf.if %cond3A_220 {
        %add3A_317 = arith.constant 3 : i32
        %add3A_318 = arith.addi %add3A_206, %add3A_317 : i32
        %mul3A_319 = arith.constant 80 : i32
        %mul3A_320 = arith.muli %add3A_318, %mul3A_319 : i32
        %add3A_321 = arith.addi %mul3A_2, %mul3A_320 : i32
        %dma_start3A_322 = tpu.memref_slice %arg4[%add3A_321] : memref<320000xi32, #tpu.memory_space<hbm>> -> memref<80xi32, #tpu.memory_space<hbm>>
        %dma_start3A_323 = tpu.memref_slice %arg4[%add3A_321] : memref<320000xi32, #tpu.memory_space<hbm>> -> memref<80xi32, #tpu.memory_space<hbm>>
        tpu.enqueue_dma source(%dma_start3A_323 : memref<80xi32, #tpu.memory_space<hbm>>) target(%arg18 : memref<80xi32, #tpu.memory_space<vmem>>) target_semaphore(%arg48 : memref<!tpu.dma_semaphore, #tpu.memory_space<semaphore_mem>>)
        %mul3A_324 = arith.constant 80 : i32
        %mul3A_325 = arith.muli %add3A_318, %mul3A_324 : i32
        %add3A_326 = arith.addi %mul3A_2, %mul3A_325 : i32
        %dma_start3A_327 = tpu.memref_slice %arg3[%add3A_326] : memref<320000xi32, #tpu.memory_space<hbm>> -> memref<80xi32, #tpu.memory_space<hbm>>
        %dma_start3A_328 = tpu.memref_slice %arg3[%add3A_326] : memref<320000xi32, #tpu.memory_space<hbm>> -> memref<80xi32, #tpu.memory_space<hbm>>
        tpu.enqueue_dma source(%dma_start3A_328 : memref<80xi32, #tpu.memory_space<hbm>>) target(%arg26 : memref<80xi32, #tpu.memory_space<vmem>>) target_semaphore(%arg48 : memref<!tpu.dma_semaphore, #tpu.memory_space<semaphore_mem>>)
      } else {
      }
      %add3A_221 = arith.constant 2 : i32
      %add3A_222 = arith.addi %add3A_206, %add3A_221 : i32
      %lt3A_223 = arith.constant 125 : i32
      %lt3A_224 = arith.cmpi slt, %add3A_222, %lt3A_223 : i32
      %convert_element_type3A_225 = arith.extui %lt3A_224 : i1 to i32
      %cond3A_226 = arith.constant 0 : i32
      %cond3A_227 = arith.cmpi ne, %convert_element_type3A_225, %cond3A_226 : i32
      scf.if %cond3A_227 {
        %add3A_317 = arith.constant 2 : i32
        %add3A_318 = arith.addi %add3A_206, %add3A_317 : i32
        %mul3A_319 = arith.constant 80 : i32
        %mul3A_320 = arith.muli %add3A_318, %mul3A_319 : i32
        %add3A_321 = arith.addi %mul3A_2, %mul3A_320 : i32
        %dma_wait3A_322 = tpu.memref_slice %arg4[%add3A_321] : memref<320000xi32, #tpu.memory_space<hbm>> -> memref<80xi32, #tpu.memory_space<hbm>>
        %dma_wait3A_323 = tpu.memref_slice %arg4[%add3A_321] : memref<320000xi32, #tpu.memory_space<hbm>> -> memref<80xi32, #tpu.memory_space<hbm>>
        tpu.wait_dma2 semaphore(%arg47 : memref<!tpu.dma_semaphore, #tpu.memory_space<semaphore_mem>>) src(%dma_wait3A_323 : memref<80xi32, #tpu.memory_space<hbm>>) dst(%arg17 : memref<80xi32, #tpu.memory_space<vmem>>)
        %mul3A_324 = arith.constant 80 : i32
        %mul3A_325 = arith.muli %add3A_318, %mul3A_324 : i32
        %add3A_326 = arith.addi %mul3A_2, %mul3A_325 : i32
        %dma_wait3A_327 = tpu.memref_slice %arg3[%add3A_326] : memref<320000xi32, #tpu.memory_space<hbm>> -> memref<80xi32, #tpu.memory_space<hbm>>
        %dma_wait3A_328 = tpu.memref_slice %arg3[%add3A_326] : memref<320000xi32, #tpu.memory_space<hbm>> -> memref<80xi32, #tpu.memory_space<hbm>>
        tpu.wait_dma2 semaphore(%arg47 : memref<!tpu.dma_semaphore, #tpu.memory_space<semaphore_mem>>) src(%dma_wait3A_328 : memref<80xi32, #tpu.memory_space<hbm>>) dst(%arg25 : memref<80xi32, #tpu.memory_space<vmem>>)
        %dma_start3A_329 = arith.constant 0 : i32
        %dma_start3A_330 = arith.constant 0 : i32
        %dma_start3A_331 = tpu.memref_slice %arg2[%dma_start3A_329, %dma_start3A_330] : memref<10000x128xf32, #tpu.memory_space<hbm>> -> memref<10000x128xf32, #tpu.memory_space<hbm>>
        tpu.enqueue_indirect_dma source(%dma_start3A_331 : memref<10000x128xf32, #tpu.memory_space<hbm>>) target(%arg9 : memref<80x128xf32, #tpu.memory_space<vmem>>) offsets(%arg17 : memref<80xi32, #tpu.memory_space<vmem>>) semaphore(%arg31 : memref<!tpu.dma_semaphore, #tpu.memory_space<semaphore_mem>>)
      } else {
      }
      %lt3A_228 = arith.constant 125 : i32
      %lt3A_229 = arith.cmpi slt, %add3A_206, %lt3A_228 : i32
      %convert_element_type3A_230 = arith.extui %lt3A_229 : i1 to i32
      %cond3A_231 = arith.constant 0 : i32
      %cond3A_232 = arith.cmpi ne, %convert_element_type3A_230, %cond3A_231 : i32
      scf.if %cond3A_232 {
        %dma_wait3A_317 = arith.constant 0 : i32
        %dma_wait3A_318 = arith.constant 0 : i32
        %dma_wait3A_319 = tpu.memref_slice %arg2[%dma_wait3A_317, %dma_wait3A_318] : memref<10000x128xf32, #tpu.memory_space<hbm>> -> memref<10000x128xf32, #tpu.memory_space<hbm>>
        tpu.wait_indirect_dma semaphore(%arg29 : memref<!tpu.dma_semaphore, #tpu.memory_space<semaphore_mem>>) src(%dma_wait3A_319 : memref<10000x128xf32, #tpu.memory_space<hbm>>) dst(%arg7 : memref<80x128xf32, #tpu.memory_space<vmem>>)
        %dma_start3A_320 = arith.constant 0 : i32
        %dma_start3A_321 = arith.constant 0 : i32
        %dma_start3A_322 = tpu.memref_slice %arg49[%dma_start3A_320, %dma_start3A_321] : memref<10240x128xf32, #tpu.memory_space<vmem_shared>> -> memref<10240x128xf32, #tpu.memory_space<vmem_shared>>
        tpu.enqueue_indirect_dma source(%arg7 : memref<80x128xf32, #tpu.memory_space<vmem>>) target(%dma_start3A_322 : memref<10240x128xf32, #tpu.memory_space<vmem_shared>>) offsets(%arg23 : memref<80xi32, #tpu.memory_space<vmem>>) semaphore(%arg33 : memref<!tpu.dma_semaphore, #tpu.memory_space<semaphore_mem>>) {add = true}
        %dma_start3A_323 = arith.constant 0 : i32
        %dma_start3A_324 = tpu.memref_slice %arg50[%dma_start3A_323] : memref<10240xf32, #tpu.memory_space<vmem_shared>> -> memref<10240xf32, #tpu.memory_space<vmem_shared>>
        tpu.enqueue_indirect_dma source(%arg27 : memref<80xf32, #tpu.memory_space<vmem>>) target(%dma_start3A_324 : memref<10240xf32, #tpu.memory_space<vmem_shared>>) offsets(%arg23 : memref<80xi32, #tpu.memory_space<vmem>>) semaphore(%arg37 : memref<!tpu.dma_semaphore, #tpu.memory_space<semaphore_mem>>) {add = true}
      } else {
      }
      %add3A_233 = arith.constant 5 : i32
      %add3A_234 = arith.addi %add3A_92, %add3A_233 : i32
      %sub3A_235 = arith.constant 2 : i32
      %sub3A_236 = arith.subi %add3A_234, %sub3A_235 : i32
      %lt3A_237 = arith.constant 125 : i32
      %lt3A_238 = arith.cmpi slt, %sub3A_236, %lt3A_237 : i32
      %convert_element_type3A_239 = arith.extui %lt3A_238 : i1 to i32
      %cond3A_240 = arith.constant 0 : i32
      %cond3A_241 = arith.cmpi ne, %convert_element_type3A_239, %cond3A_240 : i32
      scf.if %cond3A_241 {
        %dma_wait3A_317 = arith.constant 0 : i32
        %dma_wait3A_318 = arith.constant 0 : i32
        %dma_wait3A_319 = tpu.memref_slice %arg49[%dma_wait3A_317, %dma_wait3A_318] : memref<10240x128xf32, #tpu.memory_space<vmem_shared>> -> memref<10240x128xf32, #tpu.memory_space<vmem_shared>>
        tpu.wait_indirect_dma semaphore(%arg36 : memref<!tpu.dma_semaphore, #tpu.memory_space<semaphore_mem>>) src(%arg10 : memref<80x128xf32, #tpu.memory_space<vmem>>) dst(%dma_wait3A_319 : memref<10240x128xf32, #tpu.memory_space<vmem_shared>>)
        %dma_wait3A_320 = arith.constant 0 : i32
        %dma_wait3A_321 = tpu.memref_slice %arg50[%dma_wait3A_320] : memref<10240xf32, #tpu.memory_space<vmem_shared>> -> memref<10240xf32, #tpu.memory_space<vmem_shared>>
        tpu.wait_indirect_dma semaphore(%arg40 : memref<!tpu.dma_semaphore, #tpu.memory_space<semaphore_mem>>) src(%arg27 : memref<80xf32, #tpu.memory_space<vmem>>) dst(%dma_wait3A_321 : memref<10240xf32, #tpu.memory_space<vmem_shared>>)
      } else {
      }
      %add3A_242 = arith.constant 3 : i32
      %add3A_243 = arith.addi %add3A_234, %add3A_242 : i32
      %lt3A_244 = arith.constant 125 : i32
      %lt3A_245 = arith.cmpi slt, %add3A_243, %lt3A_244 : i32
      %convert_element_type3A_246 = arith.extui %lt3A_245 : i1 to i32
      %cond3A_247 = arith.constant 0 : i32
      %cond3A_248 = arith.cmpi ne, %convert_element_type3A_246, %cond3A_247 : i32
      scf.if %cond3A_248 {
        %add3A_317 = arith.constant 3 : i32
        %add3A_318 = arith.addi %add3A_234, %add3A_317 : i32
        %mul3A_319 = arith.constant 80 : i32
        %mul3A_320 = arith.muli %add3A_318, %mul3A_319 : i32
        %add3A_321 = arith.addi %mul3A_2, %mul3A_320 : i32
        %dma_start3A_322 = tpu.memref_slice %arg4[%add3A_321] : memref<320000xi32, #tpu.memory_space<hbm>> -> memref<80xi32, #tpu.memory_space<hbm>>
        %dma_start3A_323 = tpu.memref_slice %arg4[%add3A_321] : memref<320000xi32, #tpu.memory_space<hbm>> -> memref<80xi32, #tpu.memory_space<hbm>>
        tpu.enqueue_dma source(%dma_start3A_323 : memref<80xi32, #tpu.memory_space<hbm>>) target(%arg11 : memref<80xi32, #tpu.memory_space<vmem>>) target_semaphore(%arg41 : memref<!tpu.dma_semaphore, #tpu.memory_space<semaphore_mem>>)
        %mul3A_324 = arith.constant 80 : i32
        %mul3A_325 = arith.muli %add3A_318, %mul3A_324 : i32
        %add3A_326 = arith.addi %mul3A_2, %mul3A_325 : i32
        %dma_start3A_327 = tpu.memref_slice %arg3[%add3A_326] : memref<320000xi32, #tpu.memory_space<hbm>> -> memref<80xi32, #tpu.memory_space<hbm>>
        %dma_start3A_328 = tpu.memref_slice %arg3[%add3A_326] : memref<320000xi32, #tpu.memory_space<hbm>> -> memref<80xi32, #tpu.memory_space<hbm>>
        tpu.enqueue_dma source(%dma_start3A_328 : memref<80xi32, #tpu.memory_space<hbm>>) target(%arg19 : memref<80xi32, #tpu.memory_space<vmem>>) target_semaphore(%arg41 : memref<!tpu.dma_semaphore, #tpu.memory_space<semaphore_mem>>)
      } else {
      }
      %add3A_249 = arith.constant 2 : i32
      %add3A_250 = arith.addi %add3A_234, %add3A_249 : i32
      %lt3A_251 = arith.constant 125 : i32
      %lt3A_252 = arith.cmpi slt, %add3A_250, %lt3A_251 : i32
      %convert_element_type3A_253 = arith.extui %lt3A_252 : i1 to i32
      %cond3A_254 = arith.constant 0 : i32
      %cond3A_255 = arith.cmpi ne, %convert_element_type3A_253, %cond3A_254 : i32
      scf.if %cond3A_255 {
        %add3A_317 = arith.constant 2 : i32
        %add3A_318 = arith.addi %add3A_234, %add3A_317 : i32
        %mul3A_319 = arith.constant 80 : i32
        %mul3A_320 = arith.muli %add3A_318, %mul3A_319 : i32
        %add3A_321 = arith.addi %mul3A_2, %mul3A_320 : i32
        %dma_wait3A_322 = tpu.memref_slice %arg4[%add3A_321] : memref<320000xi32, #tpu.memory_space<hbm>> -> memref<80xi32, #tpu.memory_space<hbm>>
        %dma_wait3A_323 = tpu.memref_slice %arg4[%add3A_321] : memref<320000xi32, #tpu.memory_space<hbm>> -> memref<80xi32, #tpu.memory_space<hbm>>
        tpu.wait_dma2 semaphore(%arg48 : memref<!tpu.dma_semaphore, #tpu.memory_space<semaphore_mem>>) src(%dma_wait3A_323 : memref<80xi32, #tpu.memory_space<hbm>>) dst(%arg18 : memref<80xi32, #tpu.memory_space<vmem>>)
        %mul3A_324 = arith.constant 80 : i32
        %mul3A_325 = arith.muli %add3A_318, %mul3A_324 : i32
        %add3A_326 = arith.addi %mul3A_2, %mul3A_325 : i32
        %dma_wait3A_327 = tpu.memref_slice %arg3[%add3A_326] : memref<320000xi32, #tpu.memory_space<hbm>> -> memref<80xi32, #tpu.memory_space<hbm>>
        %dma_wait3A_328 = tpu.memref_slice %arg3[%add3A_326] : memref<320000xi32, #tpu.memory_space<hbm>> -> memref<80xi32, #tpu.memory_space<hbm>>
        tpu.wait_dma2 semaphore(%arg48 : memref<!tpu.dma_semaphore, #tpu.memory_space<semaphore_mem>>) src(%dma_wait3A_328 : memref<80xi32, #tpu.memory_space<hbm>>) dst(%arg26 : memref<80xi32, #tpu.memory_space<vmem>>)
        %dma_start3A_329 = arith.constant 0 : i32
        %dma_start3A_330 = arith.constant 0 : i32
        %dma_start3A_331 = tpu.memref_slice %arg2[%dma_start3A_329, %dma_start3A_330] : memref<10000x128xf32, #tpu.memory_space<hbm>> -> memref<10000x128xf32, #tpu.memory_space<hbm>>
        tpu.enqueue_indirect_dma source(%dma_start3A_331 : memref<10000x128xf32, #tpu.memory_space<hbm>>) target(%arg10 : memref<80x128xf32, #tpu.memory_space<vmem>>) offsets(%arg18 : memref<80xi32, #tpu.memory_space<vmem>>) semaphore(%arg32 : memref<!tpu.dma_semaphore, #tpu.memory_space<semaphore_mem>>)
      } else {
      }
      %lt3A_256 = arith.constant 125 : i32
      %lt3A_257 = arith.cmpi slt, %add3A_234, %lt3A_256 : i32
      %convert_element_type3A_258 = arith.extui %lt3A_257 : i1 to i32
      %cond3A_259 = arith.constant 0 : i32
      %cond3A_260 = arith.cmpi ne, %convert_element_type3A_258, %cond3A_259 : i32
      scf.if %cond3A_260 {
        %dma_wait3A_317 = arith.constant 0 : i32
        %dma_wait3A_318 = arith.constant 0 : i32
        %dma_wait3A_319 = tpu.memref_slice %arg2[%dma_wait3A_317, %dma_wait3A_318] : memref<10000x128xf32, #tpu.memory_space<hbm>> -> memref<10000x128xf32, #tpu.memory_space<hbm>>
        tpu.wait_indirect_dma semaphore(%arg30 : memref<!tpu.dma_semaphore, #tpu.memory_space<semaphore_mem>>) src(%dma_wait3A_319 : memref<10000x128xf32, #tpu.memory_space<hbm>>) dst(%arg8 : memref<80x128xf32, #tpu.memory_space<vmem>>)
        %dma_start3A_320 = arith.constant 0 : i32
        %dma_start3A_321 = arith.constant 0 : i32
        %dma_start3A_322 = tpu.memref_slice %arg49[%dma_start3A_320, %dma_start3A_321] : memref<10240x128xf32, #tpu.memory_space<vmem_shared>> -> memref<10240x128xf32, #tpu.memory_space<vmem_shared>>
        tpu.enqueue_indirect_dma source(%arg8 : memref<80x128xf32, #tpu.memory_space<vmem>>) target(%dma_start3A_322 : memref<10240x128xf32, #tpu.memory_space<vmem_shared>>) offsets(%arg24 : memref<80xi32, #tpu.memory_space<vmem>>) semaphore(%arg34 : memref<!tpu.dma_semaphore, #tpu.memory_space<semaphore_mem>>) {add = true}
        %dma_start3A_323 = arith.constant 0 : i32
        %dma_start3A_324 = tpu.memref_slice %arg50[%dma_start3A_323] : memref<10240xf32, #tpu.memory_space<vmem_shared>> -> memref<10240xf32, #tpu.memory_space<vmem_shared>>
        tpu.enqueue_indirect_dma source(%arg27 : memref<80xf32, #tpu.memory_space<vmem>>) target(%dma_start3A_324 : memref<10240xf32, #tpu.memory_space<vmem_shared>>) offsets(%arg24 : memref<80xi32, #tpu.memory_space<vmem>>) semaphore(%arg38 : memref<!tpu.dma_semaphore, #tpu.memory_space<semaphore_mem>>) {add = true}
      } else {
      }
      %add3A_261 = arith.constant 6 : i32
      %add3A_262 = arith.addi %add3A_92, %add3A_261 : i32
      %sub3A_263 = arith.constant 2 : i32
      %sub3A_264 = arith.subi %add3A_262, %sub3A_263 : i32
      %lt3A_265 = arith.constant 125 : i32
      %lt3A_266 = arith.cmpi slt, %sub3A_264, %lt3A_265 : i32
      %convert_element_type3A_267 = arith.extui %lt3A_266 : i1 to i32
      %cond3A_268 = arith.constant 0 : i32
      %cond3A_269 = arith.cmpi ne, %convert_element_type3A_267, %cond3A_268 : i32
      scf.if %cond3A_269 {
        %dma_wait3A_317 = arith.constant 0 : i32
        %dma_wait3A_318 = arith.constant 0 : i32
        %dma_wait3A_319 = tpu.memref_slice %arg49[%dma_wait3A_317, %dma_wait3A_318] : memref<10240x128xf32, #tpu.memory_space<vmem_shared>> -> memref<10240x128xf32, #tpu.memory_space<vmem_shared>>
        tpu.wait_indirect_dma semaphore(%arg33 : memref<!tpu.dma_semaphore, #tpu.memory_space<semaphore_mem>>) src(%arg7 : memref<80x128xf32, #tpu.memory_space<vmem>>) dst(%dma_wait3A_319 : memref<10240x128xf32, #tpu.memory_space<vmem_shared>>)
        %dma_wait3A_320 = arith.constant 0 : i32
        %dma_wait3A_321 = tpu.memref_slice %arg50[%dma_wait3A_320] : memref<10240xf32, #tpu.memory_space<vmem_shared>> -> memref<10240xf32, #tpu.memory_space<vmem_shared>>
        tpu.wait_indirect_dma semaphore(%arg37 : memref<!tpu.dma_semaphore, #tpu.memory_space<semaphore_mem>>) src(%arg27 : memref<80xf32, #tpu.memory_space<vmem>>) dst(%dma_wait3A_321 : memref<10240xf32, #tpu.memory_space<vmem_shared>>)
      } else {
      }
      %add3A_270 = arith.constant 3 : i32
      %add3A_271 = arith.addi %add3A_262, %add3A_270 : i32
      %lt3A_272 = arith.constant 125 : i32
      %lt3A_273 = arith.cmpi slt, %add3A_271, %lt3A_272 : i32
      %convert_element_type3A_274 = arith.extui %lt3A_273 : i1 to i32
      %cond3A_275 = arith.constant 0 : i32
      %cond3A_276 = arith.cmpi ne, %convert_element_type3A_274, %cond3A_275 : i32
      scf.if %cond3A_276 {
        %add3A_317 = arith.constant 3 : i32
        %add3A_318 = arith.addi %add3A_262, %add3A_317 : i32
        %mul3A_319 = arith.constant 80 : i32
        %mul3A_320 = arith.muli %add3A_318, %mul3A_319 : i32
        %add3A_321 = arith.addi %mul3A_2, %mul3A_320 : i32
        %dma_start3A_322 = tpu.memref_slice %arg4[%add3A_321] : memref<320000xi32, #tpu.memory_space<hbm>> -> memref<80xi32, #tpu.memory_space<hbm>>
        %dma_start3A_323 = tpu.memref_slice %arg4[%add3A_321] : memref<320000xi32, #tpu.memory_space<hbm>> -> memref<80xi32, #tpu.memory_space<hbm>>
        tpu.enqueue_dma source(%dma_start3A_323 : memref<80xi32, #tpu.memory_space<hbm>>) target(%arg12 : memref<80xi32, #tpu.memory_space<vmem>>) target_semaphore(%arg42 : memref<!tpu.dma_semaphore, #tpu.memory_space<semaphore_mem>>)
        %mul3A_324 = arith.constant 80 : i32
        %mul3A_325 = arith.muli %add3A_318, %mul3A_324 : i32
        %add3A_326 = arith.addi %mul3A_2, %mul3A_325 : i32
        %dma_start3A_327 = tpu.memref_slice %arg3[%add3A_326] : memref<320000xi32, #tpu.memory_space<hbm>> -> memref<80xi32, #tpu.memory_space<hbm>>
        %dma_start3A_328 = tpu.memref_slice %arg3[%add3A_326] : memref<320000xi32, #tpu.memory_space<hbm>> -> memref<80xi32, #tpu.memory_space<hbm>>
        tpu.enqueue_dma source(%dma_start3A_328 : memref<80xi32, #tpu.memory_space<hbm>>) target(%arg20 : memref<80xi32, #tpu.memory_space<vmem>>) target_semaphore(%arg42 : memref<!tpu.dma_semaphore, #tpu.memory_space<semaphore_mem>>)
      } else {
      }
      %add3A_277 = arith.constant 2 : i32
      %add3A_278 = arith.addi %add3A_262, %add3A_277 : i32
      %lt3A_279 = arith.constant 125 : i32
      %lt3A_280 = arith.cmpi slt, %add3A_278, %lt3A_279 : i32
      %convert_element_type3A_281 = arith.extui %lt3A_280 : i1 to i32
      %cond3A_282 = arith.constant 0 : i32
      %cond3A_283 = arith.cmpi ne, %convert_element_type3A_281, %cond3A_282 : i32
      scf.if %cond3A_283 {
        %add3A_317 = arith.constant 2 : i32
        %add3A_318 = arith.addi %add3A_262, %add3A_317 : i32
        %mul3A_319 = arith.constant 80 : i32
        %mul3A_320 = arith.muli %add3A_318, %mul3A_319 : i32
        %add3A_321 = arith.addi %mul3A_2, %mul3A_320 : i32
        %dma_wait3A_322 = tpu.memref_slice %arg4[%add3A_321] : memref<320000xi32, #tpu.memory_space<hbm>> -> memref<80xi32, #tpu.memory_space<hbm>>
        %dma_wait3A_323 = tpu.memref_slice %arg4[%add3A_321] : memref<320000xi32, #tpu.memory_space<hbm>> -> memref<80xi32, #tpu.memory_space<hbm>>
        tpu.wait_dma2 semaphore(%arg41 : memref<!tpu.dma_semaphore, #tpu.memory_space<semaphore_mem>>) src(%dma_wait3A_323 : memref<80xi32, #tpu.memory_space<hbm>>) dst(%arg11 : memref<80xi32, #tpu.memory_space<vmem>>)
        %mul3A_324 = arith.constant 80 : i32
        %mul3A_325 = arith.muli %add3A_318, %mul3A_324 : i32
        %add3A_326 = arith.addi %mul3A_2, %mul3A_325 : i32
        %dma_wait3A_327 = tpu.memref_slice %arg3[%add3A_326] : memref<320000xi32, #tpu.memory_space<hbm>> -> memref<80xi32, #tpu.memory_space<hbm>>
        %dma_wait3A_328 = tpu.memref_slice %arg3[%add3A_326] : memref<320000xi32, #tpu.memory_space<hbm>> -> memref<80xi32, #tpu.memory_space<hbm>>
        tpu.wait_dma2 semaphore(%arg41 : memref<!tpu.dma_semaphore, #tpu.memory_space<semaphore_mem>>) src(%dma_wait3A_328 : memref<80xi32, #tpu.memory_space<hbm>>) dst(%arg19 : memref<80xi32, #tpu.memory_space<vmem>>)
        %dma_start3A_329 = arith.constant 0 : i32
        %dma_start3A_330 = arith.constant 0 : i32
        %dma_start3A_331 = tpu.memref_slice %arg2[%dma_start3A_329, %dma_start3A_330] : memref<10000x128xf32, #tpu.memory_space<hbm>> -> memref<10000x128xf32, #tpu.memory_space<hbm>>
        tpu.enqueue_indirect_dma source(%dma_start3A_331 : memref<10000x128xf32, #tpu.memory_space<hbm>>) target(%arg7 : memref<80x128xf32, #tpu.memory_space<vmem>>) offsets(%arg11 : memref<80xi32, #tpu.memory_space<vmem>>) semaphore(%arg29 : memref<!tpu.dma_semaphore, #tpu.memory_space<semaphore_mem>>)
      } else {
      }
      %lt3A_284 = arith.constant 125 : i32
      %lt3A_285 = arith.cmpi slt, %add3A_262, %lt3A_284 : i32
      %convert_element_type3A_286 = arith.extui %lt3A_285 : i1 to i32
      %cond3A_287 = arith.constant 0 : i32
      %cond3A_288 = arith.cmpi ne, %convert_element_type3A_286, %cond3A_287 : i32
      scf.if %cond3A_288 {
        %dma_wait3A_317 = arith.constant 0 : i32
        %dma_wait3A_318 = arith.constant 0 : i32
        %dma_wait3A_319 = tpu.memref_slice %arg2[%dma_wait3A_317, %dma_wait3A_318] : memref<10000x128xf32, #tpu.memory_space<hbm>> -> memref<10000x128xf32, #tpu.memory_space<hbm>>
        tpu.wait_indirect_dma semaphore(%arg31 : memref<!tpu.dma_semaphore, #tpu.memory_space<semaphore_mem>>) src(%dma_wait3A_319 : memref<10000x128xf32, #tpu.memory_space<hbm>>) dst(%arg9 : memref<80x128xf32, #tpu.memory_space<vmem>>)
        %dma_start3A_320 = arith.constant 0 : i32
        %dma_start3A_321 = arith.constant 0 : i32
        %dma_start3A_322 = tpu.memref_slice %arg49[%dma_start3A_320, %dma_start3A_321] : memref<10240x128xf32, #tpu.memory_space<vmem_shared>> -> memref<10240x128xf32, #tpu.memory_space<vmem_shared>>
        tpu.enqueue_indirect_dma source(%arg9 : memref<80x128xf32, #tpu.memory_space<vmem>>) target(%dma_start3A_322 : memref<10240x128xf32, #tpu.memory_space<vmem_shared>>) offsets(%arg25 : memref<80xi32, #tpu.memory_space<vmem>>) semaphore(%arg35 : memref<!tpu.dma_semaphore, #tpu.memory_space<semaphore_mem>>) {add = true}
        %dma_start3A_323 = arith.constant 0 : i32
        %dma_start3A_324 = tpu.memref_slice %arg50[%dma_start3A_323] : memref<10240xf32, #tpu.memory_space<vmem_shared>> -> memref<10240xf32, #tpu.memory_space<vmem_shared>>
        tpu.enqueue_indirect_dma source(%arg27 : memref<80xf32, #tpu.memory_space<vmem>>) target(%dma_start3A_324 : memref<10240xf32, #tpu.memory_space<vmem_shared>>) offsets(%arg25 : memref<80xi32, #tpu.memory_space<vmem>>) semaphore(%arg39 : memref<!tpu.dma_semaphore, #tpu.memory_space<semaphore_mem>>) {add = true}
      } else {
      }
      %add3A_289 = arith.constant 7 : i32
      %add3A_290 = arith.addi %add3A_92, %add3A_289 : i32
      %sub3A_291 = arith.constant 2 : i32
      %sub3A_292 = arith.subi %add3A_290, %sub3A_291 : i32
      %lt3A_293 = arith.constant 125 : i32
      %lt3A_294 = arith.cmpi slt, %sub3A_292, %lt3A_293 : i32
      %convert_element_type3A_295 = arith.extui %lt3A_294 : i1 to i32
      %cond3A_296 = arith.constant 0 : i32
      %cond3A_297 = arith.cmpi ne, %convert_element_type3A_295, %cond3A_296 : i32
      scf.if %cond3A_297 {
        %dma_wait3A_317 = arith.constant 0 : i32
        %dma_wait3A_318 = arith.constant 0 : i32
        %dma_wait3A_319 = tpu.memref_slice %arg49[%dma_wait3A_317, %dma_wait3A_318] : memref<10240x128xf32, #tpu.memory_space<vmem_shared>> -> memref<10240x128xf32, #tpu.memory_space<vmem_shared>>
        tpu.wait_indirect_dma semaphore(%arg34 : memref<!tpu.dma_semaphore, #tpu.memory_space<semaphore_mem>>) src(%arg8 : memref<80x128xf32, #tpu.memory_space<vmem>>) dst(%dma_wait3A_319 : memref<10240x128xf32, #tpu.memory_space<vmem_shared>>)
        %dma_wait3A_320 = arith.constant 0 : i32
        %dma_wait3A_321 = tpu.memref_slice %arg50[%dma_wait3A_320] : memref<10240xf32, #tpu.memory_space<vmem_shared>> -> memref<10240xf32, #tpu.memory_space<vmem_shared>>
        tpu.wait_indirect_dma semaphore(%arg38 : memref<!tpu.dma_semaphore, #tpu.memory_space<semaphore_mem>>) src(%arg27 : memref<80xf32, #tpu.memory_space<vmem>>) dst(%dma_wait3A_321 : memref<10240xf32, #tpu.memory_space<vmem_shared>>)
      } else {
      }
      %add3A_298 = arith.constant 3 : i32
      %add3A_299 = arith.addi %add3A_290, %add3A_298 : i32
      %lt3A_300 = arith.constant 125 : i32
      %lt3A_301 = arith.cmpi slt, %add3A_299, %lt3A_300 : i32
      %convert_element_type3A_302 = arith.extui %lt3A_301 : i1 to i32
      %cond3A_303 = arith.constant 0 : i32
      %cond3A_304 = arith.cmpi ne, %convert_element_type3A_302, %cond3A_303 : i32
      scf.if %cond3A_304 {
        %add3A_317 = arith.constant 3 : i32
        %add3A_318 = arith.addi %add3A_290, %add3A_317 : i32
        %mul3A_319 = arith.constant 80 : i32
        %mul3A_320 = arith.muli %add3A_318, %mul3A_319 : i32
        %add3A_321 = arith.addi %mul3A_2, %mul3A_320 : i32
        %dma_start3A_322 = tpu.memref_slice %arg4[%add3A_321] : memref<320000xi32, #tpu.memory_space<hbm>> -> memref<80xi32, #tpu.memory_space<hbm>>
        %dma_start3A_323 = tpu.memref_slice %arg4[%add3A_321] : memref<320000xi32, #tpu.memory_space<hbm>> -> memref<80xi32, #tpu.memory_space<hbm>>
        tpu.enqueue_dma source(%dma_start3A_323 : memref<80xi32, #tpu.memory_space<hbm>>) target(%arg13 : memref<80xi32, #tpu.memory_space<vmem>>) target_semaphore(%arg43 : memref<!tpu.dma_semaphore, #tpu.memory_space<semaphore_mem>>)
        %mul3A_324 = arith.constant 80 : i32
        %mul3A_325 = arith.muli %add3A_318, %mul3A_324 : i32
        %add3A_326 = arith.addi %mul3A_2, %mul3A_325 : i32
        %dma_start3A_327 = tpu.memref_slice %arg3[%add3A_326] : memref<320000xi32, #tpu.memory_space<hbm>> -> memref<80xi32, #tpu.memory_space<hbm>>
        %dma_start3A_328 = tpu.memref_slice %arg3[%add3A_326] : memref<320000xi32, #tpu.memory_space<hbm>> -> memref<80xi32, #tpu.memory_space<hbm>>
        tpu.enqueue_dma source(%dma_start3A_328 : memref<80xi32, #tpu.memory_space<hbm>>) target(%arg21 : memref<80xi32, #tpu.memory_space<vmem>>) target_semaphore(%arg43 : memref<!tpu.dma_semaphore, #tpu.memory_space<semaphore_mem>>)
      } else {
      }
      %add3A_305 = arith.constant 2 : i32
      %add3A_306 = arith.addi %add3A_290, %add3A_305 : i32
      %lt3A_307 = arith.constant 125 : i32
      %lt3A_308 = arith.cmpi slt, %add3A_306, %lt3A_307 : i32
      %convert_element_type3A_309 = arith.extui %lt3A_308 : i1 to i32
      %cond3A_310 = arith.constant 0 : i32
      %cond3A_311 = arith.cmpi ne, %convert_element_type3A_309, %cond3A_310 : i32
      scf.if %cond3A_311 {
        %add3A_317 = arith.constant 2 : i32
        %add3A_318 = arith.addi %add3A_290, %add3A_317 : i32
        %mul3A_319 = arith.constant 80 : i32
        %mul3A_320 = arith.muli %add3A_318, %mul3A_319 : i32
        %add3A_321 = arith.addi %mul3A_2, %mul3A_320 : i32
        %dma_wait3A_322 = tpu.memref_slice %arg4[%add3A_321] : memref<320000xi32, #tpu.memory_space<hbm>> -> memref<80xi32, #tpu.memory_space<hbm>>
        %dma_wait3A_323 = tpu.memref_slice %arg4[%add3A_321] : memref<320000xi32, #tpu.memory_space<hbm>> -> memref<80xi32, #tpu.memory_space<hbm>>
        tpu.wait_dma2 semaphore(%arg42 : memref<!tpu.dma_semaphore, #tpu.memory_space<semaphore_mem>>) src(%dma_wait3A_323 : memref<80xi32, #tpu.memory_space<hbm>>) dst(%arg12 : memref<80xi32, #tpu.memory_space<vmem>>)
        %mul3A_324 = arith.constant 80 : i32
        %mul3A_325 = arith.muli %add3A_318, %mul3A_324 : i32
        %add3A_326 = arith.addi %mul3A_2, %mul3A_325 : i32
        %dma_wait3A_327 = tpu.memref_slice %arg3[%add3A_326] : memref<320000xi32, #tpu.memory_space<hbm>> -> memref<80xi32, #tpu.memory_space<hbm>>
        %dma_wait3A_328 = tpu.memref_slice %arg3[%add3A_326] : memref<320000xi32, #tpu.memory_space<hbm>> -> memref<80xi32, #tpu.memory_space<hbm>>
        tpu.wait_dma2 semaphore(%arg42 : memref<!tpu.dma_semaphore, #tpu.memory_space<semaphore_mem>>) src(%dma_wait3A_328 : memref<80xi32, #tpu.memory_space<hbm>>) dst(%arg20 : memref<80xi32, #tpu.memory_space<vmem>>)
        %dma_start3A_329 = arith.constant 0 : i32
        %dma_start3A_330 = arith.constant 0 : i32
        %dma_start3A_331 = tpu.memref_slice %arg2[%dma_start3A_329, %dma_start3A_330] : memref<10000x128xf32, #tpu.memory_space<hbm>> -> memref<10000x128xf32, #tpu.memory_space<hbm>>
        tpu.enqueue_indirect_dma source(%dma_start3A_331 : memref<10000x128xf32, #tpu.memory_space<hbm>>) target(%arg8 : memref<80x128xf32, #tpu.memory_space<vmem>>) offsets(%arg12 : memref<80xi32, #tpu.memory_space<vmem>>) semaphore(%arg30 : memref<!tpu.dma_semaphore, #tpu.memory_space<semaphore_mem>>)
      } else {
      }
      %lt3A_312 = arith.constant 125 : i32
      %lt3A_313 = arith.cmpi slt, %add3A_290, %lt3A_312 : i32
      %convert_element_type3A_314 = arith.extui %lt3A_313 : i1 to i32
      %cond3A_315 = arith.constant 0 : i32
      %cond3A_316 = arith.cmpi ne, %convert_element_type3A_314, %cond3A_315 : i32
      scf.if %cond3A_316 {
        %dma_wait3A_317 = arith.constant 0 : i32
        %dma_wait3A_318 = arith.constant 0 : i32
        %dma_wait3A_319 = tpu.memref_slice %arg2[%dma_wait3A_317, %dma_wait3A_318] : memref<10000x128xf32, #tpu.memory_space<hbm>> -> memref<10000x128xf32, #tpu.memory_space<hbm>>
        tpu.wait_indirect_dma semaphore(%arg32 : memref<!tpu.dma_semaphore, #tpu.memory_space<semaphore_mem>>) src(%dma_wait3A_319 : memref<10000x128xf32, #tpu.memory_space<hbm>>) dst(%arg10 : memref<80x128xf32, #tpu.memory_space<vmem>>)
        %dma_start3A_320 = arith.constant 0 : i32
        %dma_start3A_321 = arith.constant 0 : i32
        %dma_start3A_322 = tpu.memref_slice %arg49[%dma_start3A_320, %dma_start3A_321] : memref<10240x128xf32, #tpu.memory_space<vmem_shared>> -> memref<10240x128xf32, #tpu.memory_space<vmem_shared>>
        tpu.enqueue_indirect_dma source(%arg10 : memref<80x128xf32, #tpu.memory_space<vmem>>) target(%dma_start3A_322 : memref<10240x128xf32, #tpu.memory_space<vmem_shared>>) offsets(%arg26 : memref<80xi32, #tpu.memory_space<vmem>>) semaphore(%arg36 : memref<!tpu.dma_semaphore, #tpu.memory_space<semaphore_mem>>) {add = true}
        %dma_start3A_323 = arith.constant 0 : i32
        %dma_start3A_324 = tpu.memref_slice %arg50[%dma_start3A_323] : memref<10240xf32, #tpu.memory_space<vmem_shared>> -> memref<10240xf32, #tpu.memory_space<vmem_shared>>
        tpu.enqueue_indirect_dma source(%arg27 : memref<80xf32, #tpu.memory_space<vmem>>) target(%dma_start3A_324 : memref<10240xf32, #tpu.memory_space<vmem_shared>>) offsets(%arg26 : memref<80xi32, #tpu.memory_space<vmem>>) semaphore(%arg40 : memref<!tpu.dma_semaphore, #tpu.memory_space<semaphore_mem>>) {add = true}
      } else {
      }
    }
    %scan3A_72 = arith.constant 16 : i32
    %barrier3A_73 = arith.constant 0 : index
    tpu.barrier barrier_id(%barrier3A_73)
    %mul3A_74 = arith.constant 640 : i32
    %mul3A_75 = arith.muli %arg1, %mul3A_74 : i32
    %mul3A_76 = arith.constant 10240 : i32
    %mul3A_77 = arith.muli %arg0, %mul3A_76 : i32
    %mul3A_78 = arith.constant 640 : i32
    %mul3A_79 = arith.muli %arg1, %mul3A_78 : i32
    %add3A_80 = arith.addi %mul3A_77, %mul3A_79 : i32
    "tpu.region"() ({
      %run_scoped3A = tpu.sem_alloc : memref<!tpu.dma_semaphore, #tpu.memory_space<semaphore_mem>>
      %dma_start3A_88 = arith.constant 0 : i32
      %dma_start3A_89 = tpu.memref_slice %arg5[%add3A_80, %dma_start3A_88] : memref<20480x128xf32, #tpu.memory_space<hbm>> -> memref<640x128xf32, #tpu.memory_space<hbm>>
      %dma_start3A_90 = arith.constant 0 : i32
      %dma_start3A_91 = tpu.memref_slice %arg49[%mul3A_75, %dma_start3A_90] : memref<10240x128xf32, #tpu.memory_space<vmem_shared>> -> memref<640x128xf32, #tpu.memory_space<vmem_shared>>
      tpu.enqueue_dma source(%dma_start3A_91 : memref<640x128xf32, #tpu.memory_space<vmem_shared>>) target(%dma_start3A_89 : memref<640x128xf32, #tpu.memory_space<hbm>>) target_semaphore(%run_scoped3A : memref<!tpu.dma_semaphore, #tpu.memory_space<semaphore_mem>>)
      %dma_wait3A_92 = arith.constant 0 : i32
      %dma_wait3A_93 = tpu.memref_slice %arg5[%add3A_80, %dma_wait3A_92] : memref<20480x128xf32, #tpu.memory_space<hbm>> -> memref<640x128xf32, #tpu.memory_space<hbm>>
      %dma_wait3A_94 = arith.constant 0 : i32
      %dma_wait3A_95 = tpu.memref_slice %arg49[%mul3A_75, %dma_wait3A_94] : memref<10240x128xf32, #tpu.memory_space<vmem_shared>> -> memref<640x128xf32, #tpu.memory_space<vmem_shared>>
      tpu.wait_dma2 semaphore(%run_scoped3A : memref<!tpu.dma_semaphore, #tpu.memory_space<semaphore_mem>>) src(%dma_wait3A_95 : memref<640x128xf32, #tpu.memory_space<vmem_shared>>) dst(%dma_wait3A_93 : memref<640x128xf32, #tpu.memory_space<hbm>>)
      tpu.yield
    }) : () -> ()
    %mul3A_81 = arith.constant 640 : i32
    %mul3A_82 = arith.muli %arg1, %mul3A_81 : i32
    "tpu.region"() ({
      %run_scoped3A = tpu.sem_alloc : memref<!tpu.dma_semaphore, #tpu.memory_space<semaphore_mem>>
      %dma_start3A_88 = tpu.memref_slice %arg50[%mul3A_82] : memref<10240xf32, #tpu.memory_space<vmem_shared>> -> memref<640xf32, #tpu.memory_space<vmem_shared>>
      %dma_start3A_89 = tpu.memref_slice %arg50[%mul3A_82] : memref<10240xf32, #tpu.memory_space<vmem_shared>> -> memref<640xf32, #tpu.memory_space<vmem_shared>>
      tpu.enqueue_dma source(%dma_start3A_89 : memref<640xf32, #tpu.memory_space<vmem_shared>>) target(%arg28 : memref<640xf32, #tpu.memory_space<vmem>>) target_semaphore(%run_scoped3A : memref<!tpu.dma_semaphore, #tpu.memory_space<semaphore_mem>>)
      %dma_wait3A_90 = tpu.memref_slice %arg50[%mul3A_82] : memref<10240xf32, #tpu.memory_space<vmem_shared>> -> memref<640xf32, #tpu.memory_space<vmem_shared>>
      %dma_wait3A_91 = tpu.memref_slice %arg50[%mul3A_82] : memref<10240xf32, #tpu.memory_space<vmem_shared>> -> memref<640xf32, #tpu.memory_space<vmem_shared>>
      tpu.wait_dma2 semaphore(%run_scoped3A : memref<!tpu.dma_semaphore, #tpu.memory_space<semaphore_mem>>) src(%dma_wait3A_91 : memref<640xf32, #tpu.memory_space<vmem_shared>>) dst(%arg28 : memref<640xf32, #tpu.memory_space<vmem>>)
      tpu.yield
    }) : () -> ()
    %mul3A_83 = arith.constant 10240 : i32
    %mul3A_84 = arith.muli %arg0, %mul3A_83 : i32
    %mul3A_85 = arith.constant 640 : i32
    %mul3A_86 = arith.muli %arg1, %mul3A_85 : i32
    %add3A_87 = arith.addi %mul3A_84, %mul3A_86 : i32
    "tpu.region"() ({
      %run_scoped3A = tpu.sem_alloc : memref<!tpu.dma_semaphore, #tpu.memory_space<semaphore_mem>>
      %dma_start3A_88 = tpu.memref_slice %arg6[%add3A_87] : memref<20480xf32, #tpu.memory_space<hbm>> -> memref<640xf32, #tpu.memory_space<hbm>>
      %dma_start3A_89 = tpu.memref_slice %arg6[%add3A_87] : memref<20480xf32, #tpu.memory_space<hbm>> -> memref<640xf32, #tpu.memory_space<hbm>>
      tpu.enqueue_dma source(%arg28 : memref<640xf32, #tpu.memory_space<vmem>>) target(%dma_start3A_89 : memref<640xf32, #tpu.memory_space<hbm>>) target_semaphore(%run_scoped3A : memref<!tpu.dma_semaphore, #tpu.memory_space<semaphore_mem>>)
      %dma_wait3A_90 = tpu.memref_slice %arg6[%add3A_87] : memref<20480xf32, #tpu.memory_space<hbm>> -> memref<640xf32, #tpu.memory_space<hbm>>
      %dma_wait3A_91 = tpu.memref_slice %arg6[%add3A_87] : memref<20480xf32, #tpu.memory_space<hbm>> -> memref<640xf32, #tpu.memory_space<hbm>>
      tpu.wait_dma2 semaphore(%run_scoped3A : memref<!tpu.dma_semaphore, #tpu.memory_space<semaphore_mem>>) src(%arg28 : memref<640xf32, #tpu.memory_space<vmem>>) dst(%dma_wait3A_91 : memref<640xf32, #tpu.memory_space<hbm>>)
      tpu.yield
    }) : () -> ()
    return
  }
}

module attributes {stable_mosaic.version = 14 : i64} {
  func.func @_pre_h_body(%arg0: i32, %arg1: memref<2000x128xf32, #tpu.memory_space<vmem>>, %arg2: memref<128x128xf32, #tpu.memory_space<vmem>>, %arg3: memref<1x128xf32, #tpu.memory_space<vmem>>, %arg4: memref<2000x128xf32, #tpu.memory_space<vmem>>) attributes {dimension_semantics = [#tpu.dimension_semantics<arbitrary>], iteration_bounds = array<i64: 5>, scalar_prefetch = 0 : i64, scratch_operands = 0 : i64, tpu.core_type = #tpu.core_type<tc>, window_params = [{transform_indices = @transform_0, window_bounds = array<i64: 2000, 128>}, {pipeline_mode = #tpu.pipeline_mode<synchronous>, transform_indices = @transform_1, window_bounds = array<i64: 128, 128>}, {pipeline_mode = #tpu.pipeline_mode<synchronous>, transform_indices = @transform_2, window_bounds = array<i64: 1, 128>}, {transform_indices = @transform_3, window_bounds = array<i64: 2000, 128>}]} {
    %get3A = arith.constant 0 : index
    %get3A_0 = arith.constant 0 : index
    %get3A_1 = vector.load %arg1[%get3A, %get3A_0] : memref<2000x128xf32, #tpu.memory_space<vmem>>, vector<2000x128xf32>
    %get3A_2 = arith.constant 0 : index
    %get3A_3 = arith.constant 0 : index
    %get3A_4 = vector.load %arg2[%get3A_2, %get3A_3] : memref<128x128xf32, #tpu.memory_space<vmem>>, vector<128x128xf32>
    %dot_general3A = arith.constant dense<0.000000e+00> : vector<2000x128xf32>
    %dot_general3A_5 = tpu.matmul %get3A_1, %get3A_4, %dot_general3A {dimension_numbers = #tpu.dot_dimension_numbers<[1], [0], [0], [1], [0, 0, 1, 1], [], []>, transpose_lhs_hint = false} : vector<2000x128xf32>, vector<128x128xf32>, vector<2000x128xf32> -> vector<2000x128xf32>
    %get3A_6 = arith.constant 0 : index
    %get3A_7 = arith.constant 0 : index
    %get3A_8 = vector.load %arg3[%get3A_6, %get3A_7] : memref<1x128xf32, #tpu.memory_space<vmem>>, vector<1x128xf32>
    %add3A = vector.broadcast %get3A_8 : vector<1x128xf32> to vector<2000x128xf32>
    %add3A_9 = arith.addf %dot_general3A_5, %add3A : vector<2000x128xf32>
    %swap3A = arith.constant 0 : index
    %swap3A_10 = arith.constant 0 : index
    %swap3A_11 = vector.load %arg4[%swap3A, %swap3A_10] : memref<2000x128xf32, #tpu.memory_space<vmem>>, vector<2000x128xf32>
    tpu.vector_store %arg4[%swap3A, %swap3A_10], %add3A_9 {strides = array<i32>} : memref<2000x128xf32, #tpu.memory_space<vmem>>, vector<2000x128xf32>,
    return
  }
  func.func @transform_0(%arg0: i32) -> (i32, i32) {
    %c0_i32 = arith.constant 0 : i32
    %c0_i32_0 = arith.constant 0 : i32
    return %arg0, %c0_i32 : i32, i32
  }
  func.func @transform_1(%arg0: i32) -> (i32, i32) {
    %c0_i32 = arith.constant 0 : i32
    %c0_i32_0 = arith.constant 0 : i32
    %c0_i32_1 = arith.constant 0 : i32
    return %c0_i32, %c0_i32_0 : i32, i32
  }
  func.func @transform_2(%arg0: i32) -> (i32, i32) {
    %c0_i32 = arith.constant 0 : i32
    %c0_i32_0 = arith.constant 0 : i32
    %c0_i32_1 = arith.constant 0 : i32
    return %c0_i32, %c0_i32_0 : i32, i32
  }
  func.func @transform_3(%arg0: i32) -> (i32, i32) {
    %c0_i32 = arith.constant 0 : i32
    %c0_i32_0 = arith.constant 0 : i32
    return %arg0, %c0_i32 : i32, i32
  }
}

module attributes {stable_mosaic.version = 14 : i64} {
  func.func @_post_body(%arg0: i32, %arg1: memref<2000x128xf32, #tpu.memory_space<vmem>>, %arg2: memref<2000x128xf32, #tpu.memory_space<vmem>>, %arg3: memref<128x128xf32, #tpu.memory_space<vmem>>, %arg4: memref<128x128xf32, #tpu.memory_space<vmem>>, %arg5: memref<1x128xf32, #tpu.memory_space<vmem>>, %arg6: memref<2000x1xf32, #tpu.memory_space<vmem>>, %arg7: memref<1x2000x128xf32, #tpu.memory_space<vmem>>, %arg8: memref<1x2000x128xf32, #tpu.memory_space<vmem>>, %arg9: memref<1x2000x1xf32, #tpu.memory_space<vmem>>, %arg10: memref<1x2000x1xf32, #tpu.memory_space<vmem>>, %arg11: memref<1x128xf32, #tpu.memory_space<vmem>>, %arg12: memref<1x128xf32, #tpu.memory_space<vmem>>, %arg13: memref<2000x128xf32, #tpu.memory_space<vmem>>) attributes {dimension_semantics = [#tpu.dimension_semantics<arbitrary>], iteration_bounds = array<i64: 5>, scalar_prefetch = 0 : i64, scratch_operands = 0 : i64, tpu.core_type = #tpu.core_type<tc>, window_params = [{transform_indices = @transform_0, window_bounds = array<i64: 2000, 128>}, {transform_indices = @transform_1, window_bounds = array<i64: 2000, 128>}, {pipeline_mode = #tpu.pipeline_mode<synchronous>, transform_indices = @transform_2, window_bounds = array<i64: 128, 128>}, {pipeline_mode = #tpu.pipeline_mode<synchronous>, transform_indices = @transform_3, window_bounds = array<i64: 128, 128>}, {pipeline_mode = #tpu.pipeline_mode<synchronous>, transform_indices = @transform_4, window_bounds = array<i64: 1, 128>}, {transform_indices = @transform_5, window_bounds = array<i64: 2000, 1>}, {transform_indices = @transform_6, window_bounds = array<i64: 1, 2000, 128>}, {transform_indices = @transform_7, window_bounds = array<i64: 1, 2000, 128>}, {transform_indices = @transform_8, window_bounds = array<i64: 1, 2000, 1>}, {transform_indices = @transform_9, window_bounds = array<i64: 1, 2000, 1>}, {pipeline_mode = #tpu.pipeline_mode<synchronous>, transform_indices = @transform_10, window_bounds = array<i64: 1, 128>}, {pipeline_mode = #tpu.pipeline_mode<synchronous>, transform_indices = @transform_11, window_bounds = array<i64: 1, 128>}, {transform_indices = @transform_12, window_bounds = array<i64: 2000, 128>}]} {
    %get3A = arith.constant 0 : index
    %get3A_0 = arith.constant 0 : index
    %get3A_1 = vector.load %arg2[%get3A, %get3A_0] : memref<2000x128xf32, #tpu.memory_space<vmem>>, vector<2000x128xf32>
    %get3A_2 = arith.constant 0 : index
    %get3A_3 = arith.constant 0 : index
    %get3A_4 = vector.load %arg3[%get3A_2, %get3A_3] : memref<128x128xf32, #tpu.memory_space<vmem>>, vector<128x128xf32>
    %dot_general3A = arith.constant dense<0.000000e+00> : vector<2000x128xf32>
    %dot_general3A_5 = tpu.matmul %get3A_1, %get3A_4, %dot_general3A {dimension_numbers = #tpu.dot_dimension_numbers<[1], [0], [0], [1], [0, 0, 1, 1], [], []>, transpose_lhs_hint = false} : vector<2000x128xf32>, vector<128x128xf32>, vector<2000x128xf32> -> vector<2000x128xf32>
    %custom_jvp_call3A = arith.constant 0.000000e+00 : f32
    %max3A = vector.broadcast %custom_jvp_call3A : f32 to vector<2000x128xf32>
    %max3A_6 = arith.maximumf %dot_general3A_5, %max3A : vector<2000x128xf32>
    %sub3A = vector.broadcast %custom_jvp_call3A : f32 to vector<2000x128xf32>
    %sub3A_7 = arith.subf %dot_general3A_5, %sub3A : vector<2000x128xf32>
    %ne3A = arith.cmpf one, %sub3A_7, %sub3A_7 : vector<2000x128xf32>
    %add3A = vector.broadcast %custom_jvp_call3A : f32 to vector<2000x128xf32>
    %add3A_8 = arith.addf %dot_general3A_5, %add3A : vector<2000x128xf32>
    %abs3A = math.absf %sub3A_7 : vector<2000x128xf32>
    %neg3A = arith.constant 0.000000e+00 : f32
    %neg3A_9 = vector.broadcast %neg3A : f32 to vector<2000x128xf32>
    %neg3A_10 = arith.subf %neg3A_9, %abs3A : vector<2000x128xf32>
    %exp3A = math.exp %neg3A_10 : vector<2000x128xf32>
    %log1p3A = math.log1p %exp3A : vector<2000x128xf32>
    %add3A_11 = arith.addf %max3A_6, %log1p3A : vector<2000x128xf32>
    %select_n3A = arith.select %ne3A, %add3A_8, %add3A_11 : vector<2000x128xi1>, vector<2000x128xf32>
    %add3A_12 = arith.constant 9.99999974E-5 : f32
    %add3A_13 = vector.broadcast %add3A_12 : f32 to vector<2000x128xf32>
    %add3A_14 = arith.addf %select_n3A, %add3A_13 : vector<2000x128xf32>
    %get3A_15 = arith.constant 0 : index
    %get3A_16 = arith.constant 0 : index
    %get3A_17 = vector.load %arg4[%get3A_15, %get3A_16] : memref<128x128xf32, #tpu.memory_space<vmem>>, vector<128x128xf32>
    %dot_general3A_18 = arith.constant dense<0.000000e+00> : vector<2000x128xf32>
    %dot_general3A_19 = tpu.matmul %get3A_1, %get3A_17, %dot_general3A_18 {dimension_numbers = #tpu.dot_dimension_numbers<[1], [0], [0], [1], [0, 0, 1, 1], [], []>, transpose_lhs_hint = false} : vector<2000x128xf32>, vector<128x128xf32>, vector<2000x128xf32> -> vector<2000x128xf32>
    %get3A_20 = arith.constant 0 : index
    %get3A_21 = arith.constant 0 : index
    %get3A_22 = vector.load %arg5[%get3A_20, %get3A_21] : memref<1x128xf32, #tpu.memory_space<vmem>>, vector<1x128xf32>
    %add3A_23 = vector.broadcast %get3A_22 : vector<1x128xf32> to vector<2000x128xf32>
    %add3A_24 = arith.addf %dot_general3A_19, %add3A_23 : vector<2000x128xf32>
    %get3A_25 = arith.constant 0 : index
    %get3A_26 = arith.constant 0 : index
    %get3A_27 = arith.constant 0 : index
    %get3A_28 = vector.load %arg9[%get3A_25, %get3A_26, %get3A_27] : memref<1x2000x1xf32, #tpu.memory_space<vmem>>, vector<1x2000x1xf32>
    %get3A_29 = vector.shape_cast %get3A_28 : vector<1x2000x1xf32> to vector<2000x1xf32>
    %get3A_30 = arith.constant 0 : index
    %get3A_31 = arith.constant 0 : index
    %get3A_32 = arith.constant 0 : index
    %get3A_33 = vector.load %arg10[%get3A_30, %get3A_31, %get3A_32] : memref<1x2000x1xf32, #tpu.memory_space<vmem>>, vector<1x2000x1xf32>
    %get3A_34 = vector.shape_cast %get3A_33 : vector<1x2000x1xf32> to vector<2000x1xf32>
    %add3A_35 = arith.addf %get3A_29, %get3A_34 : vector<2000x1xf32>
    %get3A_36 = arith.constant 0 : index
    %get3A_37 = arith.constant 0 : index
    %get3A_38 = vector.load %arg1[%get3A_36, %get3A_37] : memref<2000x128xf32, #tpu.memory_space<vmem>>, vector<2000x128xf32>
    %mul3A = vector.broadcast %add3A_35 : vector<2000x1xf32> to vector<2000x128xf32>
    %mul3A_39 = arith.mulf %mul3A, %get3A_38 : vector<2000x128xf32>
    %get3A_40 = arith.constant 0 : index
    %get3A_41 = arith.constant 0 : index
    %get3A_42 = arith.constant 0 : index
    %get3A_43 = vector.load %arg7[%get3A_40, %get3A_41, %get3A_42] : memref<1x2000x128xf32, #tpu.memory_space<vmem>>, vector<1x2000x128xf32>
    %get3A_44 = vector.shape_cast %get3A_43 : vector<1x2000x128xf32> to vector<2000x128xf32>
    %add3A_45 = arith.addf %mul3A_39, %get3A_44 : vector<2000x128xf32>
    %get3A_46 = arith.constant 0 : index
    %get3A_47 = arith.constant 0 : index
    %get3A_48 = arith.constant 0 : index
    %get3A_49 = vector.load %arg8[%get3A_46, %get3A_47, %get3A_48] : memref<1x2000x128xf32, #tpu.memory_space<vmem>>, vector<1x2000x128xf32>
    %get3A_50 = vector.shape_cast %get3A_49 : vector<1x2000x128xf32> to vector<2000x128xf32>
    %add3A_51 = arith.addf %add3A_45, %get3A_50 : vector<2000x128xf32>
    %mul3A_52 = arith.mulf %add3A_14, %add3A_51 : vector<2000x128xf32>
    %add3A_53 = arith.addf %mul3A_52, %add3A_24 : vector<2000x128xf32>
    %get3A_54 = arith.constant 0 : index
    %get3A_55 = arith.constant 0 : index
    %get3A_56 = vector.load %arg6[%get3A_54, %get3A_55] : memref<2000x1xf32, #tpu.memory_space<vmem>>, vector<2000x1xf32>
    %mul3A_57 = vector.broadcast %get3A_56 : vector<2000x1xf32> to vector<2000x128xf32>
    %mul3A_58 = arith.mulf %add3A_14, %mul3A_57 : vector<2000x128xf32>
    %add3A_59 = arith.constant 1.000000e+00 : f32
    %add3A_60 = vector.broadcast %add3A_59 : f32 to vector<2000x128xf32>
    %add3A_61 = arith.addf %add3A_60, %mul3A_58 : vector<2000x128xf32>
    %add3A_62 = arith.constant 9.99999974E-5 : f32
    %add3A_63 = vector.broadcast %add3A_62 : f32 to vector<2000x128xf32>
    %add3A_64 = arith.addf %add3A_61, %add3A_63 : vector<2000x128xf32>
    %div3A = arith.divf %add3A_53, %add3A_64 : vector<2000x128xf32>
    %reduce_sum3A = arith.constant dense<0.000000e+00> : vector<2000xf32>
    %reduce_sum3A_65 = vector.multi_reduction <add>, %div3A, %reduce_sum3A [1] : vector<2000x128xf32> to vector<2000xf32>
    %broadcast_in_dim3A = vector.shape_cast %reduce_sum3A_65 : vector<2000xf32> to vector<2000x1xf32>
    %div3A_66 = arith.constant 1.280000e+02 : f32
    %div3A_67 = vector.broadcast %div3A_66 : f32 to vector<2000x1xf32>
    %div3A_68 = arith.divf %broadcast_in_dim3A, %div3A_67 : vector<2000x1xf32>
    %sub3A_69 = vector.broadcast %div3A_68 : vector<2000x1xf32> to vector<2000x128xf32>
    %sub3A_70 = arith.subf %div3A, %sub3A_69 : vector<2000x128xf32>
    %mul3A_71 = arith.mulf %sub3A_70, %sub3A_70 : vector<2000x128xf32>
    %reduce_sum3A_72 = arith.constant dense<0.000000e+00> : vector<2000xf32>
    %reduce_sum3A_73 = vector.multi_reduction <add>, %mul3A_71, %reduce_sum3A_72 [1] : vector<2000x128xf32> to vector<2000xf32>
    %broadcast_in_dim3A_74 = vector.shape_cast %reduce_sum3A_73 : vector<2000xf32> to vector<2000x1xf32>
    %div3A_75 = arith.constant 1.280000e+02 : f32
    %div3A_76 = vector.broadcast %div3A_75 : f32 to vector<2000x1xf32>
    %div3A_77 = arith.divf %broadcast_in_dim3A_74, %div3A_76 : vector<2000x1xf32>
    %add3A_78 = arith.constant 9.99999974E-6 : f32
    %add3A_79 = vector.broadcast %add3A_78 : f32 to vector<2000x1xf32>
    %add3A_80 = arith.addf %div3A_77, %add3A_79 : vector<2000x1xf32>
    %sqrt3A = math.sqrt %add3A_80 : vector<2000x1xf32>
    %div3A_81 = vector.broadcast %sqrt3A : vector<2000x1xf32> to vector<2000x128xf32>
    %div3A_82 = arith.divf %sub3A_70, %div3A_81 : vector<2000x128xf32>
    %get3A_83 = arith.constant 0 : index
    %get3A_84 = arith.constant 0 : index
    %get3A_85 = vector.load %arg11[%get3A_83, %get3A_84] : memref<1x128xf32, #tpu.memory_space<vmem>>, vector<1x128xf32>
    %mul3A_86 = vector.broadcast %get3A_85 : vector<1x128xf32> to vector<2000x128xf32>
    %mul3A_87 = arith.mulf %div3A_82, %mul3A_86 : vector<2000x128xf32>
    %get3A_88 = arith.constant 0 : index
    %get3A_89 = arith.constant 0 : index
    %get3A_90 = vector.load %arg12[%get3A_88, %get3A_89] : memref<1x128xf32, #tpu.memory_space<vmem>>, vector<1x128xf32>
    %add3A_91 = vector.broadcast %get3A_90 : vector<1x128xf32> to vector<2000x128xf32>
    %add3A_92 = arith.addf %mul3A_87, %add3A_91 : vector<2000x128xf32>
    %swap3A = arith.constant 0 : index
    %swap3A_93 = arith.constant 0 : index
    %swap3A_94 = vector.load %arg13[%swap3A, %swap3A_93] : memref<2000x128xf32, #tpu.memory_space<vmem>>, vector<2000x128xf32>
    tpu.vector_store %arg13[%swap3A, %swap3A_93], %add3A_92 {strides = array<i32>} : memref<2000x128xf32, #tpu.memory_space<vmem>>, vector<2000x128xf32>,
    return
  }
  func.func @transform_0(%arg0: i32) -> (i32, i32) {
    %c0_i32 = arith.constant 0 : i32
    %c0_i32_0 = arith.constant 0 : i32
    return %arg0, %c0_i32 : i32, i32
  }
  func.func @transform_1(%arg0: i32) -> (i32, i32) {
    %c0_i32 = arith.constant 0 : i32
    %c0_i32_0 = arith.constant 0 : i32
    return %arg0, %c0_i32 : i32, i32
  }
  func.func @transform_2(%arg0: i32) -> (i32, i32) {
    %c0_i32 = arith.constant 0 : i32
    %c0_i32_0 = arith.constant 0 : i32
    %c0_i32_1 = arith.constant 0 : i32
    return %c0_i32, %c0_i32_0 : i32, i32
  }
  func.func @transform_3(%arg0: i32) -> (i32, i32) {
    %c0_i32 = arith.constant 0 : i32
    %c0_i32_0 = arith.constant 0 : i32
    %c0_i32_1 = arith.constant 0 : i32
    return %c0_i32, %c0_i32_0 : i32, i32
  }
  func.func @transform_4(%arg0: i32) -> (i32, i32) {
    %c0_i32 = arith.constant 0 : i32
    %c0_i32_0 = arith.constant 0 : i32
    %c0_i32_1 = arith.constant 0 : i32
    return %c0_i32, %c0_i32_0 : i32, i32
  }
  func.func @transform_5(%arg0: i32) -> (i32, i32) {
    %c0_i32 = arith.constant 0 : i32
    %c0_i32_0 = arith.constant 0 : i32
    return %arg0, %c0_i32 : i32, i32
  }
  func.func @transform_6(%arg0: i32) -> (i32, i32, i32) {
    %c0_i32 = arith.constant 0 : i32
    %c0_i32_0 = arith.constant 0 : i32
    %c0_i32_1 = arith.constant 0 : i32
    return %c0_i32, %arg0, %c0_i32_0 : i32, i32, i32
  }
  func.func @transform_7(%arg0: i32) -> (i32, i32, i32) {
    %c1_i32 = arith.constant 1 : i32
    %c0_i32 = arith.constant 0 : i32
    %c0_i32_0 = arith.constant 0 : i32
    return %c1_i32, %arg0, %c0_i32 : i32, i32, i32
  }
  func.func @transform_8(%arg0: i32) -> (i32, i32, i32) {
    %c0_i32 = arith.constant 0 : i32
    %c0_i32_0 = arith.constant 0 : i32
    %c0_i32_1 = arith.constant 0 : i32
    return %c0_i32, %arg0, %c0_i32_0 : i32, i32, i32
  }
  func.func @transform_9(%arg0: i32) -> (i32, i32, i32) {
    %c1_i32 = arith.constant 1 : i32
    %c0_i32 = arith.constant 0 : i32
    %c0_i32_0 = arith.constant 0 : i32
    return %c1_i32, %arg0, %c0_i32 : i32, i32, i32
  }
  func.func @transform_10(%arg0: i32) -> (i32, i32) {
    %c0_i32 = arith.constant 0 : i32
    %c0_i32_0 = arith.constant 0 : i32
    %c0_i32_1 = arith.constant 0 : i32
    return %c0_i32, %c0_i32_0 : i32, i32
  }
  func.func @transform_11(%arg0: i32) -> (i32, i32) {
    %c0_i32 = arith.constant 0 : i32
    %c0_i32_0 = arith.constant 0 : i32
    %c0_i32_1 = arith.constant 0 : i32
    return %c0_i32, %c0_i32_0 : i32, i32
  }
  func.func @transform_12(%arg0: i32) -> (i32, i32) {
    %c0_i32 = arith.constant 0 : i32
    %c0_i32_0 = arith.constant 0 : i32
    return %arg0, %c0_i32 : i32, i32
  }
}

</mosaic_0001>

<sc_bundles>
// kernel: kernel.5.cloned.1.call-start
scs
__scs_entry_jumppad:
0x0: {  	(pc) =	sbr.rel $0x88, $3  }
0x1: {  	(tag) =	ssettag $0x0;
	lr =	simm.s32 $0x1  }
0x2: {  	[smem:$0x3F97] =	sst lr;
	_ =	strace $0xD0000000  }
0x3: {  	_ = 	snop  }
0x4: {  	_ = 	snop  }
0x5: {  	_ = 	snop  }
0x6: {  	_ = 	snop  }
0x7: {  	_ = 	snop  }
__scs_overlays_trampoline_lowered:
0x8: {  	[smem:$0x3FA6] =	sst s0  }
0x9: {  	[smem:$0x3FA7] =	sst s1  }
0xa: {  	[smem:$0x3FA8] =	sst s2  }
0xb: {  	[smem:$0x3FA9] =	sst s3  }
0xc: {  	[smem:$0x3FAA] =	sst s4  }
0xd: {  	[smem:$0x3FAB] =	sst s5  }
0xe: {  	[smem:$0x3FAC] =	sst s6  }
0xf: {  	[smem:$0x3FAD] =	sst s7  }
0x10: {  	[smem:$0x3FAE] =	sst s8  }
0x11: {  	[smem:$0x3FAF] =	sst s9;
	s0 =	simm.s32 @!p0 $0x0  }
0x12: {  	s1 =	sld [smem:$0x3F95];
	s0 =	simm.s32 @p0 $0x1  }
0x13: {  	[smem:$0x3FB0] =	sst s0;
	s0 =	simm.s32 @!p1 $0x0  }
0x14: {  	s2 =	sld [smem:$0x3F94];
	s0 =	simm.s32 @p1 $0x1  }
0x15: {  	[smem:$0x3FB1] =	sst s0;
	s0 =	simm.s32 @!p2 $0x0  }
0x16: {  	s3 =	sld [smem:$0x3FDB];
	s0 =	simm.s32 @p2 $0x1  }
0x17: {  	s4 =	simm.s32 $0x1BF5;
	[smem:$0x3FB3] =	sst s0  }
0x18: {  	s0 =	sld [smem:$0x3F96];
	_ =	swait.ge [sflag:s4], $0x0  }
0x19: {  	s7 =	sld [smem:$0x3F97]  }
0x1a: {  	s8 =	sadd.s32 $0xFFFFE003, lr  }
0x1b: {  	s9 =	sadd.s32 $0xFFFFFEF7, lr;
	s5 =	simm.s32 $0xFFFFFFFF;
	p2 =	slt.u32 s8, $0xFFFFF086  }
0x1c: {  	p1 =	slt.u32 s9, $0xF7A;
	s5 =	simm.s32 @!p2 $0x0  }
0x1d: {  	s5 =	simm.s32 @p1 $0x1;
	p0 =	seq.s32 s7, s2  }
0x1e: {  	s7 =	smul.u32 @!p0 $0xF7A, s2;
	p2 =	seq.s32 @!p0 s5, $0x0  }
0x1f: {  	s9 =	smul.u32 $0xF7A, s1;
	s8 =	simm.s32 @!p0 $0x1BF5;
	p2 =	por !p2, p0  }
0x20: {  	[sflag:s8] =	ssyncset.s32 @!p0 $0xFFFFF086;
	s6 =	sadd.s32 @!p0 s3, s7;
	s7 =	simm.s32 @!p0 $0x108  }
0x21: {  	s3 =	sadd.s32 s3, s9;
	s6 =	sadd.s32 @!p0 $0x88, s6;
	s7 =	simm.s32 @p2 $0x1082  }
0x22: {  	[simem:s7], [sflag:s8] =	dma.local @!p0 [hbm:s6], $0xF7A  }
0x23: {  	s9 =	sor.u32 $0xD0000000, s2;
	s6 =	simm.s32 $0x108;
	_ =	swait.ge @!p0 [sflag:s8], $0x0  }
0x24: {  	s3 =	sadd.s32 $0x88, s3;
	s6 =	simm.s32 @!p1 $0x1082;
	[sflag:s4] =	ssyncset.s32 $0xFFFFF086  }
0x25: {  	[simem:s6], [sflag:s4] =	dma.local [hbm:s3], $0xF7A  }
0x26: {  	[smem:$0x3F97] =	sst s1;
	(tag) =	ssettag s2;
	_ =	strace s9  }
0x27: {  	s1 =	sld [smem:$0x3FA7]  }
0x28: {  	s2 =	sld [smem:$0x3FA8]  }
0x29: {  	s4 =	sld [smem:$0x3FAA]  }
0x2a: {  	p0 =	seq.s32 s5, $0x0;
	s5 =	sld [smem:$0x3FAB]  }
0x2b: {  	s6 =	sld [smem:$0x3FAC]  }
0x2c: {  	s7 =	sld [smem:$0x3FAD]  }
0x2d: {  	s3 =	simm.s32 $0x108;
	s8 =	sld [smem:$0x3FAE]  }
0x2e: {  	s3 =	simm.s32 @!p0 $0x1082;
	s9 =	sld [smem:$0x3FAF]  }
0x2f: {  	lr =	sadd.s32 s0, s3;
	s0 =	sld [smem:$0x3FA6]  }
0x30: {  	s3 =	sld [smem:$0x3FA9]  }
0x31: {  	[smem:$0x3FB2] =	sst s10  }
0x32: {  	s10 =	sld [smem:$0x3FB0];
	_ =	sdelay $0x3  }
0x33: {  	p0 =	seq.s32 s10, $0x1;
	s10 =	sld [smem:$0x3FB2];
	_ =	sdelay $0x3  }
0x34: {  	[smem:$0x3FB2] =	sst s10  }
0x35: {  	s10 =	sld [smem:$0x3FB1];
	_ =	sdelay $0x3  }
0x36: {  	p1 =	seq.s32 s10, $0x1;
	s10 =	sld [smem:$0x3FB2];
	_ =	sdelay $0x3  }
0x37: {  	[smem:$0x3FB2] =	sst s10  }
0x38: {  	s10 =	sld [smem:$0x3FB3]  }
0x39: {  	_ = 	snop;
	(pc) =	sbr.ind lr, $3  }
0x3a: {  	_ = 	snop  }
0x3b: {  	_ = 	snop  }
0x3c: {  	p2 =	seq.s32 s10, $0x1;
	s10 =	sld [smem:$0x3FB2]  }
0x3d: {  	_ =	shalt  }
0x3e: {  	_ =	shalt  }
0x3f: {  	_ =	shalt  }
0x40: {  	_ =	shalt  }
0x41: {  	_ =	shalt  }
0x42: {  	_ =	shalt  }
0x43: {  	_ =	shalt  }
0x44: {  	_ =	shalt  }
0x45: {  	_ =	shalt  }
0x46: {  	_ =	shalt  }
0x47: {  	_ =	shalt  }
0x48: {  	_ =	shalt  }
0x49: {  	_ =	shalt  }
0x4a: {  	_ =	shalt  }
0x4b: {  	_ =	shalt  }
0x4c: {  	_ =	shalt  }
0x4d: {  	_ =	shalt  }
0x4e: {  	_ =	shalt  }
0x4f: {  	_ =	shalt  }
0x50: {  	_ =	shalt  }
0x51: {  	_ =	shalt  }
0x52: {  	_ =	shalt  }
0x53: {  	_ =	shalt  }
0x54: {  	_ =	shalt  }
0x55: {  	_ =	shalt  }
0x56: {  	_ =	shalt  }
0x57: {  	_ =	shalt  }
0x58: {  	_ =	shalt  }
0x59: {  	_ =	shalt  }
0x5a: {  	_ =	shalt  }
0x5b: {  	_ =	shalt  }
0x5c: {  	_ =	shalt  }
0x5d: {  	_ =	shalt  }
0x5e: {  	_ =	shalt  }
0x5f: {  	_ =	shalt  }
0x60: {  	_ =	shalt  }
0x61: {  	_ =	shalt  }
0x62: {  	_ =	shalt  }
0x63: {  	_ =	shalt  }
0x64: {  	_ =	shalt  }
0x65: {  	_ =	shalt  }
0x66: {  	_ =	shalt  }
0x67: {  	_ =	shalt  }
0x68: {  	_ =	shalt  }
0x69: {  	_ =	shalt  }
0x6a: {  	_ =	shalt  }
0x6b: {  	_ =	shalt  }
0x6c: {  	_ =	shalt  }
0x6d: {  	_ =	shalt  }
0x6e: {  	_ =	shalt  }
0x6f: {  	_ =	shalt  }
0x70: {  	_ =	shalt  }
0x71: {  	_ =	shalt  }
0x72: {  	_ =	shalt  }
0x73: {  	_ =	shalt  }
0x74: {  	_ =	shalt  }
0x75: {  	_ =	shalt  }
0x76: {  	_ =	shalt  }
0x77: {  	_ =	shalt  }
0x78: {  	_ =	shalt  }
0x79: {  	_ =	shalt  }
0x7a: {  	_ =	shalt  }
0x7b: {  	_ =	shalt  }
0x7c: {  	_ =	shalt  }
0x7d: {  	_ =	shalt  }
0x7e: {  	_ =	shalt  }
0x7f: {  	_ =	shalt  }
0x80: {  	_ =	shalt  }
0x81: {  	_ =	shalt  }
0x82: {  	_ =	shalt  }
0x83: {  	_ =	shalt  }
0x84: {  	_ =	shalt  }
0x85: {  	_ =	shalt  }
0x86: {  	_ =	shalt  }
0x87: {  	_ =	shalt  }
.Lfunc_end0:
.L_simem_size_0:
called_computation_lowered:
.L_overlay_start_0:
0x88: {  	s2 =	sld [smem:$0x3FD9]  }
0x89: {  	s3 =	sld [smem:$0x3FFE];
	_ =	sdelay $0x1  }
0x8a: {  	s1 =	srdreg.scid  }
0x8b: {  	s0 =	sand.u32 $0x1, s1  }
0x8c: {  	s17 =	sshll.u32 s0, $0xA;
	s2 =	sadd.s32 s3, s2  }
0x8d: {  	s2 =	sadd.s32 s2, s17  }
0x8e: {  	[smem:$0x3FBE] =	sst s2  }
0x8f: {  	_ = 	snop  }
0x90: {  	s2 =	sld [smem:$0x3FD0];
	(tm) =	ssettm $0x1  }
0x91: {  	s18 =	sld [smem:$0x3FFB];
	_ =	sdelay $0x3  }
0x92: {  	_ =	strace s18  }
0x93: {  	s3 =	sld [smem:$0x3FFC];
	_ =	sdelay $0x3  }
0x94: {  	_ =	strace s3  }
0x95: {  	s3 =	sld [smem:$0x3FFD];
	_ =	sdelay $0x3  }
0x96: {  	_ =	strace s3  }
0x97: {  	_ =	strace $0x8FFFFFFF  }
0x98: {  	s19 =	sld [smem:$0x3FDB];
	_ =	sdelay $0x1  }
0x99: {  	s4 =	simm.s32 $_scs_section_size  }
0x9a: {  	s5 =	simm.s32 $_size__tile_overlayer_lowered;
	s6 =	simm.s32 $_tile_overlayer_lowered  }
0x9b: {  	s22 =	simm.s32 $0x1BFF;
	s21 =	sshll.u32 s6, $0x1;
	s3 =	sadd.s32 s4, s19  }
0x9c: {  	s7 =	simm.s32 $0x0;
	s20 =	sshll.u32 s5, $0x1;
	s5 =	sadd.s32 s21, s3  }
0x9d: {  	[timem:s7], [sflag:s22] =	dma.local [hbm:s5], s20  }
0x9e: {  	_ =	swait.ge [sflag:s22], s20  }
0x9f: {  	s4 =	ssub.s32 $0x0, s20;
	[sflag:s22] =	ssyncset.done $0x0  }
0xa0: {  	[sflag:s22] =	ssyncadd.s32 s4;
	_ =	sdelay $0x1  }
0xa1: {  	s23 =	simm.s32 $0x1B8B  }
0xa2: {  	_ =	swait.ge [sflag:s23], $0x1  }
0xa3: {  	[sflag:s23] =	ssyncset.done $0x0  }
0xa4: {  	s25 =	simm.s32 $0x1B8E;
	s24 =	sld [smem:$0x3FFE];
	[sflag:s23] =	ssyncadd.s32 $0xFFFFFFFF  }
0xa5: {  	s26 =	simm.s32 $execute0_lowered;
	[smem:$0x3FD2] =	sst s25  }
0xa6: {  	s5 =	sshll.u32 s26, $0x1;
	_ =	strace $0x80000046;
	[dreg:$0x1] =	wrdreg $0xFFFFFFFF  }
0xa7: {  	s28 =	simm.s32 $_size_execute0_lowered;
	s3 =	sadd.s32 s3, s5;
	[dreg:$0x0] =	wrdreg $0x0  }
0xa8: {  	s5 =	sshll.u32 s28, $0x1;
	[dreg:$0x2] =	wrdreg s3  }
0xa9: {  	[dreg:$0x3] =	wrdreg s5  }
0xaa: {  	[dreg:$0x4] =	wrdreg $0xC0  }
0xab: {  	_ =	task [dreg:s7], $0x5FFFF  }
0xac: {  	[dreg:$0x1] =	wrdreg $0xFFFFFFFF  }
0xad: {  	[dreg:$0x0] =	wrdreg $0x60  }
0xae: {  	[dreg:$0x2] =	wrdreg s2  }
0xaf: {  	[dreg:$0x3] =	wrdreg s24  }
0xb0: {  	[dreg:$0x4] =	wrdreg $0xAB000  }
0xb1: {  	[dreg:$0x5] =	wrdreg $0x1EB000  }
0xb2: {  	[dreg:$0x6] =	wrdreg $0x9  }
0xb3: {  	_ =	task.clear_ibuf [dreg:s7], $0x7FFFF;
	_ =	strace $0x90000046  }
0xb4: {  	s29 =	simm.s32 $0x9;
	_ =	strace $0x80000048  }
0xb5: {  	_ =	swait.ge [sflag:s29], $0x1  }
0xb6: {  	[sflag:s29] =	ssyncadd.s32 $0xFFFFFFFF  }
0xb7: {  	_ =	strace $0x90000048  }
0xb8: {  	_ =	sfence  }
0xb9: {  	s30 =	sld [smem:$0x0];
	_ =	sdelay $0x2  }
0xba: {  	s31 =	sshll.u32 s1, $0xD;
	s1 =	sshrl.u32 s1, $0x2  }
0xbb: {  	s3 =	sand.u32 $0x4000, s31;
	s1 =	sadd.s32 s1, s30  }
0xbc: {  	s0 =	sor.u32 s3, s0;
	s1 =	sshll.u32 s1, $0x11  }
0xbd: {  	s0 =	sor.u32 s1, s0  }
0xbe: {  	s0 =	sadd.s32 $0x8F2B, s0  }
0xbf: {  	[sflag:s0] =	ssyncadd.remote.s32 $0x1  }
0xc0: {  	_ =	sfence.sel $0xFFFF  }
0xc1: {  	[dreg:$0x0] =	wrdreg $0xFFFFFFFF;
	(pc) =	sbr.abs _section_cstart, $3  }
0xc2: {  	[dreg:$0x1] =	wrdreg $0xFFFFFFFF  }
0xc3: {  	_ =	task.clear_ibuf [dreg:s7], $0x2FFFF;
	_ =	strace $0x9FFFFFFF  }
0xc4: {  	(tm) =	ssettm $0x7FFFFFFF  }
0xc5: {  	_ =	shalt  }
tec
execute0_lowered:
.L_overlay_start_1:
0x0: {  	(tag) =	ssettag $0x1  }
0x1: {  	s3 =	rddreg [dreg:$0x0]  }
0x2: {  	s0 =	rddreg [dreg:$0x1]  }
0x3: {  	s4 =	rddreg [dreg:$0x2]  }
0x4: {  	s5 =	rddreg [dreg:$0x3]  }
0x5: {  	s2 =	srdreg.scid;
	s12 =	stileid.u32  }
0x6: {  	s18 =	simm.s32 $0x0;
	s29 =	simm.s32 $0xA400;
	s30 =	simm.s32 $0xA480  }
0x7: {  	s31 =	simm.s32 $0x50;
	s28 =	simm.s32 $0x10;
	s6 =	smul.u32 $0x280, s12  }
0x8: {  	s2 =	sand.u32 $0x1, s2;
	[smem:$0x7FF] =	sst s18;
	s25 =	smul.u32 $0x4E20, s12  }
0x9: {  	s8 =	sshll.u32 s12, $0x1;
	s22 =	sadd.s32 $0xB800, s0;
	s12 =	smul.u32 $0x50000, s12  }
0xa: {  	s23 =	sadd.s32 $0x1A00, s0;
	s7 =	smul.u32 $0x2800, s2;
	_ =	strace $0x80000047  }
0xb: {  	s8 =	sor.u32 s2, s8;
	s19 =	ssub.s32 $0x2, s2;
	s2 =	smul.u32 $0x2710, s2  }
0xc: {  	s24 =	smul.u32 $0x2710, s8;
	s20 =	sshrl.u32 s19, $0x1;
	s7 =	sadd.s32 s6, s7  }
0xd: {  	s17 =	sadd.s32 s2, s25;
	s9 =	sshll.u32 s7, $0x4;
	s7 =	sshrl.u32 s7, $0x3  }
0xe: {  	s10 =	sshrl.u32 s24, $0x3;
	s15 =	sadd.s32 $0x1E0, s17;
	s16 =	sadd.s32 s9, s0  }
0xf: {  	s0 =	sadd.s32 s7, s0;
	s7 =	ssub.s32 s19, s20;
	s21 =	sadd.s32 s23, s10  }
0x10: {  	s11 =	sadd.s32 s22, s10;
	s26 =	sadd.s32 $0xA, s10;
	[dreg:$0x15] =	wrdreg s21  }
0x11: {  	s10 =	sadd.s32 $0x14, s10;
	[dreg:$0x16] =	wrdreg s11;
	s13 =	sadd.s32 s23, s26  }
0x12: {  	s9 =	sadd.s32 $0x230, s17;
	s11 =	sadd.s32 s22, s26;
	[dreg:$0x17] =	wrdreg s13  }
0x13: {  	s20 =	sadd.s32 $0x190, s17;
	s1 =	sadd.s32 s23, s10;
	[dreg:$0x18] =	wrdreg s11  }
0x14: {  	s10 =	sadd.s32 s22, s10;
	s25 =	sshrl.u32 s20, $0x3;
	[dreg:$0x19] =	wrdreg s1  }
0x15: {  	s0 =	sadd.s32 $0x15600, s0;
	[dreg:$0x1a] =	wrdreg s10;
	s11 =	sshrl.u32 s12, $0x2  }
0x16: {  	s12 =	sshrl.u32 s9, $0x3;
	s13 =	sadd.s32 $0x16000, s16;
	s16 =	sshrl.u32 s15, $0x3  }
0x17: {  	s26 =	sadd.s32 s25, s22;
	s1 =	sadd.s32 $0x320, s17;
	[dreg:$0x1e] =	wrdreg s0  }
0x18: {  	s10 =	sadd.s32 s11, s4;
	s11 =	sadd.s32 s6, s5;
	[dreg:$0x1d] =	wrdreg s13  }
0x19: {  	s14 =	sadd.s32 s12, s22;
	s2 =	sadd.s32 s12, s23;
	[dreg:$0x9] =	wrdreg s26  }
0x1a: {  	s19 =	sadd.s32 s16, s22;
	s21 =	sadd.s32 s16, s23;
	[dreg:$0x5] =	wrdreg s14  }
0x1b: {  	s6 =	sadd.s32 s25, s23;
	s8 =	sshrl.u32 s1, $0x3;
	[dreg:$0x6] =	wrdreg s2  }
0x1c: {  	s12 =	sadd.s32 $0x2D0, s17;
	s16 =	sadd.s32 $0xF0, s17;
	[dreg:$0x7] =	wrdreg s19  }
0x1d: {  	s25 =	smax.u32 s7, $0x1;
	s7 =	simm.s32 $0xA080;
	[dreg:$0x8] =	wrdreg s21  }
0x1e: {  	s1 =	simm.s32 $0xF;
	[dreg:$0xa] =	wrdreg s6;
	s9 =	sadd.s32 s8, s22  }
0x1f: {  	s13 =	sadd.s32 s8, s23;
	s14 =	sshrl.u32 s12, $0x3;
	[dreg:$0x1f] =	wrdreg s25  }
0x20: {  	s20 =	sshrl.u32 s16, $0x3;
	s6 =	simm.s32 $0xA000;
	[dreg:$0x1b] =	wrdreg s10  }
0x21: {  	s8 =	simm.s32 $0x15;
	s12 =	simm.s32 $0xA880;
	[dreg:$0x1c] =	wrdreg s11  }
0x22: {  	s16 =	simm.s32 $0xA580;
	s25 =	simm.s32 $0xA800;
	[dreg:$0xb] =	wrdreg s9  }
0x23: {  	s2 =	simm.s32 $0x0;
	[dreg:$0xc] =	wrdreg s13;
	s15 =	sadd.s32 s14, s22  }
0x24: {  	s19 =	sadd.s32 s14, s23;
	s21 =	sadd.s32 s20, s22;
	[dreg:$0xd] =	wrdreg s15  }
0x25: {  	s26 =	sadd.s32 s20, s23;
	s13 =	simm.s32 $0xA100;
	[dreg:$0xe] =	wrdreg s19  }
0x26: {  	s9 =	simm.s32 $0xA500;
	s14 =	simm.s32 $0x2800;
	[dreg:$0xf] =	wrdreg s21  }
0x27: {  	s20 =	simm.s32 $0xA200;
	[dreg:$0x10] =	wrdreg s26;
	s15 =	simm.s32 $0xA180  }
0x28: {  	v0 =	vimm.f32 $0.0e+00;
	v1 =	vimm.f32 $1.000000000e+00;
	s19 =	simm.s32 $0x5000;
	s21 =	simm.s32 $0x1;
	s26 =	simm.s32 $0xA600  }
.LBB2_1:
0x29: {  	[smem:$0x7FD] =	sst s2  }
0x2a: {  	s0 =	rddreg [dreg:$0x15]  }
0x2b: {  	[tilespmem:s6], [sflag:$0xD] =	stream.linear.gather [hbm4b:s0+s18], $0x50, $0x38;
	[tilespmem:$0x1ED80] =	vst v63  }
0x2c: {  	s2 =	rddreg [dreg:$0x16]  }
0x2d: {  	[tilespmem:s29], [sflag:$0xD] =	stream.linear.gather [hbm4b:s2+s18], $0x50, $0x38;
	[tilespmem:$0x1ED80] =	vst v63  }
0x2e: {  	s2 =	rddreg [dreg:$0x17]  }
0x2f: {  	[tilespmem:s7], [sflag:$0xE] =	stream.linear.gather [hbm4b:s2+s18], $0x50, $0x38;
	[tilespmem:$0x1ED80] =	vst v63  }
0x30: {  	s2 =	rddreg [dreg:$0x18]  }
0x31: {  	[tilespmem:s30], [sflag:$0xE] =	stream.linear.gather [hbm4b:s2+s18], $0x50, $0x38;
	[tilespmem:$0x1ED80] =	vst v63  }
0x32: {  	s2 =	rddreg [dreg:$0x19]  }
0x33: {  	[tilespmem:s13], [sflag:$0xF] =	stream.linear.gather [hbm4b:s2+s18], $0x50, $0x38;
	[tilespmem:$0x1ED80] =	vst v63  }
0x34: {  	s2 =	rddreg [dreg:$0x1a]  }
0x35: {  	[tilespmem:s9], [sflag:$0xF] =	stream.linear.gather [hbm4b:s2+s18], $0x50, $0x38;
	[tilespmem:$0x1ED80] =	vst v63  }
0x36: {  	s0 =	simm.s32 $0x0;
	s2 =	simm.s32 $0x200  }
.LBB2_2:
0x37: {  	p0 =	sne.s32 s2, $0x1E00;
	[tilespmem:s0+$0x70] =	vst v0  }
0x38: {  	[tilespmem:s0+$0x0] =	vst v0  }
0x39: {  	[tilespmem:s0+$0x10] =	vst v0  }
.Ltmp0:
0x3a: {  	[tilespmem:s0+$0x20] =	vst v0;
	(pc) =	sbr.rel @p0 .LBB2_2-.Ltmp0, $4  }
0x3b: {  	[tilespmem:s0+$0x30] =	vst v0  }
0x3c: {  	[tilespmem:s0+$0x40] =	vst v0  }
0x3d: {  	[tilespmem:s0+$0x50] =	vst v0  }
0x3e: {  	[tilespmem:s0+$0x60] =	vst v0;
	s0 =	sshra.s32 s2, $0x2;
	s2 =	sadd.s32 $0x200, s2  }
0x3f: {  	[tilespmem:s0+$0x70] =	vst v0  }
0x40: {  	[tilespmem:s0+$0x0] =	vst v0  }
0x41: {  	[tilespmem:s0+$0x10] =	vst v0  }
0x42: {  	[tilespmem:s0+$0x20] =	vst v0  }
0x43: {  	[tilespmem:s0+$0x30] =	vst v0  }
0x44: {  	[tilespmem:s0+$0x40] =	vst v0  }
0x45: {  	[tilespmem:s0+$0x50] =	vst v0  }
0x46: {  	[tilespmem:s0+$0x60] =	vst v0  }
0x47: {  	[tilespmem:$0xA880] =	vst v0  }
0x48: {  	[tilespmem:$0xA890] =	vst v0  }
0x49: {  	[tilespmem:$0xA8A0] =	vst v0  }
0x4a: {  	[tilespmem:$0xA8B0] =	vst v0  }
0x4b: {  	[tilespmem:$0xA8C0] =	vst v0  }
0x4c: {  	[tilespmem:$0xA8D0] =	vst v0  }
0x4d: {  	[tilespmem:$0xA8E0] =	vst v0  }
0x4e: {  	[tilespmem:$0xA8F0] =	vst v0  }
0x4f: {  	[tilespmem:$0xA900] =	vst v0  }
0x50: {  	[tilespmem:$0xA910] =	vst v0  }
0x51: {  	[tilespmem:$0xA920] =	vst v0  }
0x52: {  	[tilespmem:$0xA930] =	vst v0  }
0x53: {  	[tilespmem:$0xA940] =	vst v0  }
0x54: {  	[tilespmem:$0xA950] =	vst v0  }
0x55: {  	[tilespmem:$0xA960] =	vst v0  }
0x56: {  	[tilespmem:$0xA970] =	vst v0  }
0x57: {  	[tilespmem:$0xA980] =	vst v0  }
0x58: {  	[tilespmem:$0xA990] =	vst v0  }
0x59: {  	[tilespmem:$0xA9A0] =	vst v0  }
0x5a: {  	[tilespmem:$0xA9B0] =	vst v0  }
0x5b: {  	[tilespmem:$0xA9C0] =	vst v0  }
0x5c: {  	[tilespmem:$0xA9D0] =	vst v0  }
0x5d: {  	[tilespmem:$0xA9E0] =	vst v0  }
0x5e: {  	[tilespmem:$0xA9F0] =	vst v0  }
0x5f: {  	[tilespmem:$0xAA00] =	vst v0  }
0x60: {  	[tilespmem:$0xAA10] =	vst v0  }
0x61: {  	[tilespmem:$0xAA20] =	vst v0  }
0x62: {  	[tilespmem:$0xAA30] =	vst v0  }
0x63: {  	[tilespmem:$0xAA40] =	vst v0  }
0x64: {  	[tilespmem:$0xAA50] =	vst v0  }
0x65: {  	[tilespmem:$0xAA60] =	vst v0  }
0x66: {  	[tilespmem:$0xAA70] =	vst v0  }
0x67: {  	[tilespmem:$0xAA80] =	vst v0  }
0x68: {  	[tilespmem:$0xAA90] =	vst v0  }
0x69: {  	[tilespmem:$0xAAA0] =	vst v0  }
0x6a: {  	[tilespmem:$0xAAB0] =	vst v0  }
0x6b: {  	[tilespmem:$0xAAC0] =	vst v0  }
0x6c: {  	[tilespmem:$0xAAD0] =	vst v0  }
0x6d: {  	[tilespmem:$0xAAE0] =	vst v0  }
0x6e: {  	[tilespmem:$0xAAF0] =	vst v0  }
0x6f: {  	[tilespmem:$0xA800] =	vst v1  }
0x70: {  	[tilespmem:$0xA810] =	vst v1  }
0x71: {  	[tilespmem:$0xA820] =	vst v1  }
0x72: {  	[tilespmem:$0xA830] =	vst v1  }
0x73: {  	s2 =	sadd.s32 $0x0, s10;
	[tilespmem:$0xA840] =	vst v1  }
0x74: {  	[spmem:s2] =	stream.linear.scatter [tilespmem:s18], [sflag:$0x15], $0x800, $0x38;
	[tilespmem:$0x1ED80] =	vst v63  }
0x75: {  	s0 =	simm.s32 $0x2000;
	_ =	swait.ge [sflag:s8], $0x800  }
.LBB2_4:
0x76: {  	s2 =	sshra.s32 s0, $0x2;
	[sflag:s8] =	ssyncset.done $0x0;
	p0 =	sne.s32 s0, $0x4E000  }
.Ltmp1:
0x77: {  	s2 =	sadd.s32 s2, s10;
	[sflag:s8] =	ssyncadd.s32 $0xFFFFF800;
	(pc) =	sbr.rel @p0 .LBB2_4-.Ltmp1, $3  }
0x78: {  	[spmem:s2] =	stream.linear.scatter [tilespmem:s18], [sflag:$0x15], $0x800, $0x38;
	[tilespmem:$0x1ED80] =	vst v63  }
0x79: {  	s0 =	sadd.s32 $0x2000, s0;
	_ =	sdelay $0x1  }
0x7a: {  	_ =	swait.ge [sflag:s8], $0x800  }
0x7b: {  	[sflag:s8] =	ssyncset.done $0x0  }
0x7c: {  	[sflag:s8] =	ssyncadd.s32 $0xFFFFF800  }
0x7d: {  	[spmem:s11] =	stream.linear.scatter [tilespmem:s12], [sflag:$0x15], $0x280, $0x38;
	[tilespmem:$0x1ED80] =	vst v63  }
0x7e: {  	_ =	swait.ge [sflag:s8], $0x280  }
0x7f: {  	[sflag:s8] =	ssyncset.done $0x0  }
0x80: {  	s0 =	simm.s32 $0xD;
	[sflag:s8] =	ssyncadd.s32 $0xFFFFFD80  }
0x81: {  	_ =	swait.ge [sflag:s0], $0x50  }
0x82: {  	[sflag:s0] =	ssyncset.done $0x0  }
0x83: {  	[sflag:s0] =	ssyncadd.s32 $0xFFFFFFB0  }
0x84: {  	_ =	swait.ge [sflag:s0], $0x50  }
0x85: {  	[sflag:s0] =	ssyncset.done $0x0  }
0x86: {  	s2 =	simm.s32 $0x0;
	[sflag:s0] =	ssyncadd.s32 $0xFFFFFFB0  }
0x87: {  	[tilespmem:s2], [sflag:$0x1] =	stream.indirect.gather [hbm4b:s3+s31], $0x80, s6, s31, $0xb8;
	[tilespmem:$0x1ED80] =	vst v63  }
0x88: {  	s6 =	simm.s32 $0xE  }
0x89: {  	_ =	swait.ge [sflag:s6], $0x50  }
0x8a: {  	[sflag:s6] =	ssyncset.done $0x0  }
0x8b: {  	[sflag:s6] =	ssyncadd.s32 $0xFFFFFFB0  }
0x8c: {  	_ =	swait.ge [sflag:s6], $0x50  }
0x8d: {  	[sflag:s6] =	ssyncset.done $0x0  }
0x8e: {  	p0 =	por $0x1, $0x1;
	[sflag:s6] =	ssyncadd.s32 $0xFFFFFFB0  }
0x8f: {  	[tilespmem:s14], [sflag:$0x2] =	stream.indirect.gather [hbm4b:s3+s31], $0x80, s7, s31, $0xb8;
	[tilespmem:$0x1ED80] =	vst v63  }
0x90: {  	s0 =	simm.s32 @!p0 $0x7;
	[bflag:$0x0] =	sbarrier.arrive $0xFFFF  }
0x91: {  	_ =	swait.ge @!p0 [sflag:s0], $0x2800  }
0x92: {  	[sflag:s0] =	ssyncset.done @!p0 $0x0  }
0x93: {  	s2 =	simm.s32 @!p0 $0xB;
	[sflag:s0] =	ssyncadd.s32 @!p0 $0xFFFFD800  }
0x94: {  	_ =	swait.ge @!p0 [sflag:s2], $0x50  }
0x95: {  	s8 =	rddreg [dreg:$0x10];
	[sflag:s2] =	ssyncset.done @!p0 $0x0  }
0x96: {  	s10 =	rddreg [dreg:$0xf];
	[sflag:s2] =	ssyncadd.s32 @!p0 $0xFFFFFFB0;
	s0 =	sadd.s32 $0x0, s8  }
0x97: {  	[tilespmem:s15], [sflag:$0x10] =	stream.linear.gather [hbm4b:s0+s18], $0x50, $0x38;
	[tilespmem:$0x1ED80] =	vst v63  }
0x98: {  	s11 =	sadd.s32 $0x0, s10  }
0x99: {  	[tilespmem:s16], [sflag:$0x10] =	stream.linear.gather [hbm4b:s11+s18], $0x50, $0x38;
	[tilespmem:$0x1ED80] =	vst v63  }
0x9a: {  	_ =	swait.ge [sflag:s1], $0x50  }
0x9b: {  	[sflag:s1] =	ssyncset.done $0x0  }
0x9c: {  	[sflag:s1] =	ssyncadd.s32 $0xFFFFFFB0  }
0x9d: {  	_ =	swait.ge [sflag:s1], $0x50  }
0x9e: {  	[sflag:s1] =	ssyncset.done $0x0  }
0x9f: {  	[sflag:s1] =	ssyncadd.s32 $0xFFFFFFB0  }
0xa0: {  	[tilespmem:s19], [sflag:$0x3] =	stream.indirect.gather [hbm4b:s3+s31], $0x80, s13, s31, $0xb8;
	[tilespmem:$0x1ED80] =	vst v63  }
0xa1: {  	_ =	swait.ge [sflag:s21], $0x2800  }
0xa2: {  	[sflag:s21] =	ssyncset.done $0x0  }
0xa3: {  	p0 =	por $0x1, $0x1;
	[sflag:s21] =	ssyncadd.s32 $0xFFFFD800  }
0xa4: {  	[spmem:s4] =	stream.indirect.scatter.add.f32 [tilespmem:s18], [sflag:$0x5], $0x80, s29, s31, $0xb8;
	[tilespmem:$0x1ED80] =	vst v63  }
0xa5: {  	s0 =	simm.s32 @!p0 $0x8  }
0xa6: {  	[spmem:s5] =	stream.indirect.scatter.add.f32 [tilespmem:s25], [sflag:$0x9], $0x1, s29, s31, $0xb8;
	[tilespmem:$0x1ED80] =	vst v63  }
0xa7: {  	_ =	swait.ge @!p0 [sflag:s0], $0x2800  }
0xa8: {  	s2 =	simm.s32 @!p0 $0x140;
	[sflag:s0] =	ssyncset.done @!p0 $0x0  }
0xa9: {  	s6 =	simm.s32 @!p0 $0xC;
	s2 =	simm.s32 @p0 $0x140;
	[sflag:s0] =	ssyncadd.s32 @!p0 $0xFFFFD800  }
0xaa: {  	s12 =	sadd.s32 s24, s2;
	_ =	swait.ge @!p0 [sflag:s6], $0x50  }
0xab: {  	s0 =	sshrl.u32 s12, $0x3;
	[sflag:s6] =	ssyncset.done @!p0 $0x0  }
0xac: {  	s1 =	sadd.s32 s23, s0;
	[sflag:s6] =	ssyncadd.s32 @!p0 $0xFFFFFFB0  }
0xad: {  	[tilespmem:s20], [sflag:$0x11] =	stream.linear.gather [hbm4b:s1+s18], $0x50, $0x38;
	[tilespmem:$0x1ED80] =	vst v63  }
0xae: {  	s0 =	sadd.s32 s22, s0  }
0xaf: {  	[tilespmem:s26], [sflag:$0x11] =	stream.linear.gather [hbm4b:s0+s18], $0x50, $0x38;
	[tilespmem:$0x1ED80] =	vst v63  }
0xb0: {  	_ =	swait.ge [sflag:s28], $0x50  }
0xb1: {  	[sflag:s28] =	ssyncset.done $0x0  }
0xb2: {  	[sflag:s28] =	ssyncadd.s32 $0xFFFFFFB0  }
0xb3: {  	_ =	swait.ge [sflag:s28], $0x50  }
0xb4: {  	[sflag:s28] =	ssyncset.done $0x0  }
0xb5: {  	s11 =	simm.s32 $0x7800;
	s2 =	simm.s32 $0x2;
	[sflag:s28] =	ssyncadd.s32 $0xFFFFFFB0  }
0xb6: {  	[tilespmem:s11], [sflag:$0x4] =	stream.indirect.gather [hbm4b:s3+s31], $0x80, s15, s31, $0xb8;
	[tilespmem:$0x1ED80] =	vst v63  }
0xb7: {  	_ =	swait.ge [sflag:s2], $0x2800  }
0xb8: {  	[sflag:s2] =	ssyncset.done $0x0  }
0xb9: {  	[sflag:s2] =	ssyncadd.s32 $0xFFFFD800  }
0xba: {  	[spmem:s4] =	stream.indirect.scatter.add.f32 [tilespmem:s14], [sflag:$0x6], $0x80, s30, s31, $0xb8;
	[tilespmem:$0x1ED80] =	vst v63  }
0xbb: {  	s6 =	simm.s32 $0x5  }
0xbc: {  	[spmem:s5] =	stream.indirect.scatter.add.f32 [tilespmem:s25], [sflag:$0xA], $0x1, s30, s31, $0xb8;
	[tilespmem:$0x1ED80] =	vst v63  }
0xbd: {  	_ =	swait.ge [sflag:s6], $0x2800  }
0xbe: {  	[sflag:s6] =	ssyncset.done $0x0  }
0xbf: {  	p0 =	por $0x0, $0x0;
	s1 =	simm.s32 $0x9;
	[sflag:s6] =	ssyncadd.s32 $0xFFFFD800  }
0xc0: {  	s8 =	simm.s32 @!p0 $0xA280;
	_ =	swait.ge [sflag:s1], $0x50  }
0xc1: {  	s2 =	simm.s32 @!p0 $0x0;
	s0 =	rddreg [dreg:$0xa];
	[sflag:s1] =	ssyncset.done $0x0  }
0xc2: {  	s7 =	rddreg [dreg:$0x9];
	[sflag:s1] =	ssyncadd.s32 $0xFFFFFFB0;
	s0 =	sadd.s32 @!p0 $0x0, s0  }
0xc3: {  	[tilespmem:s8], [sflag:$0x12] =	stream.linear.gather @!p0 [hbm4b:s0+s2], $0x50, $0x38;
	[tilespmem:$0x1ED80] =	vst v63  }
0xc4: {  	s6 =	simm.s32 @!p0 $0xA680;
	s0 =	sadd.s32 @!p0 $0x0, s7;
	s7 =	simm.s32 $0x11  }
0xc5: {  	[tilespmem:s6], [sflag:$0x12] =	stream.linear.gather @!p0 [hbm4b:s0+s2], $0x50, $0x38;
	[tilespmem:$0x1ED80] =	vst v63  }
0xc6: {  	_ =	swait.ge [sflag:s7], $0x50  }
0xc7: {  	[sflag:s7] =	ssyncset.done $0x0  }
0xc8: {  	[sflag:s7] =	ssyncadd.s32 $0xFFFFFFB0  }
0xc9: {  	_ =	swait.ge [sflag:s7], $0x50  }
0xca: {  	[sflag:s7] =	ssyncset.done $0x0  }
0xcb: {  	s10 =	simm.s32 $0x3;
	[sflag:s7] =	ssyncadd.s32 $0xFFFFFFB0  }
0xcc: {  	[tilespmem:s18], [sflag:$0x1] =	stream.indirect.gather [hbm4b:s3+s31], $0x80, s20, s31, $0xb8;
	[tilespmem:$0x1ED80] =	vst v63  }
0xcd: {  	_ =	swait.ge [sflag:s10], $0x2800  }
0xce: {  	[sflag:s10] =	ssyncset.done $0x0  }
0xcf: {  	[sflag:s10] =	ssyncadd.s32 $0xFFFFD800  }
0xd0: {  	[spmem:s4] =	stream.indirect.scatter.add.f32 [tilespmem:s19], [sflag:$0x7], $0x80, s9, s31, $0xb8;
	[tilespmem:$0x1ED80] =	vst v63  }
0xd1: {  	s12 =	simm.s32 $0x6  }
0xd2: {  	[spmem:s5] =	stream.indirect.scatter.add.f32 [tilespmem:s25], [sflag:$0xB], $0x1, s9, s31, $0xb8;
	[tilespmem:$0x1ED80] =	vst v63  }
0xd3: {  	_ =	swait.ge [sflag:s12], $0x2800  }
0xd4: {  	[sflag:s12] =	ssyncset.done $0x0  }
0xd5: {  	p1 =	por $0x0, $0x0;
	s14 =	simm.s32 $0xA;
	[sflag:s12] =	ssyncadd.s32 $0xFFFFD800  }
0xd6: {  	s7 =	simm.s32 @!p1 $0x0;
	_ =	swait.ge [sflag:s14], $0x50  }
0xd7: {  	s12 =	simm.s32 @!p1 $0xA300;
	s0 =	rddreg [dreg:$0x8];
	[sflag:s14] =	ssyncset.done $0x0  }
0xd8: {  	s2 =	rddreg [dreg:$0x7];
	[sflag:s14] =	ssyncadd.s32 $0xFFFFFFB0;
	s0 =	sadd.s32 @!p1 $0x0, s0  }
0xd9: {  	[tilespmem:s12], [sflag:$0x13] =	stream.linear.gather @!p1 [hbm4b:s0+s7], $0x50, $0x38;
	[tilespmem:$0x1ED80] =	vst v63  }
0xda: {  	s10 =	simm.s32 @!p0 $0x12;
	s0 =	sadd.s32 @!p1 $0x0, s2;
	s2 =	simm.s32 @!p1 $0xA700  }
0xdb: {  	[tilespmem:s2], [sflag:$0x13] =	stream.linear.gather @!p1 [hbm4b:s0+s7], $0x50, $0x38;
	[tilespmem:$0x1ED80] =	vst v63  }
0xdc: {  	_ =	swait.ge @!p0 [sflag:s10], $0x50  }
0xdd: {  	[sflag:s10] =	ssyncset.done @!p0 $0x0  }
0xde: {  	[sflag:s10] =	ssyncadd.s32 @!p0 $0xFFFFFFB0  }
0xdf: {  	_ =	swait.ge @!p0 [sflag:s10], $0x50  }
0xe0: {  	s15 =	simm.s32 $0x4;
	[sflag:s10] =	ssyncset.done @!p0 $0x0  }
0xe1: {  	s9 =	simm.s32 @!p0 $0x2800;
	s7 =	simm.s32 @!p0 $0x50;
	[sflag:s10] =	ssyncadd.s32 @!p0 $0xFFFFFFB0  }
0xe2: {  	[tilespmem:s9], [sflag:$0x2] =	stream.indirect.gather @!p0 [hbm4b:s3+s7], $0x80, s8, s7, $0xb8;
	[tilespmem:$0x1ED80] =	vst v63  }
0xe3: {  	_ =	swait.ge [sflag:s15], $0x2800  }
0xe4: {  	[sflag:s15] =	ssyncset.done $0x0  }
0xe5: {  	[sflag:s15] =	ssyncadd.s32 $0xFFFFD800  }
0xe6: {  	[spmem:s4] =	stream.indirect.scatter.add.f32 [tilespmem:s11], [sflag:$0x8], $0x80, s16, s31, $0xb8;
	[tilespmem:$0x1ED80] =	vst v63  }
0xe7: {  	s19 =	simm.s32 $0x7  }
0xe8: {  	[spmem:s5] =	stream.indirect.scatter.add.f32 [tilespmem:s25], [sflag:$0xC], $0x1, s16, s31, $0xb8;
	[tilespmem:$0x1ED80] =	vst v63  }
0xe9: {  	_ =	swait.ge [sflag:s19], $0x2800  }
0xea: {  	[sflag:s19] =	ssyncset.done $0x0  }
0xeb: {  	p3 =	por $0x0, $0x0;
	s20 =	simm.s32 $0xB;
	[sflag:s19] =	ssyncadd.s32 $0xFFFFD800  }
0xec: {  	s14 =	simm.s32 @!p3 $0xA380;
	_ =	swait.ge [sflag:s20], $0x50  }
0xed: {  	s10 =	simm.s32 @!p3 $0x0;
	s0 =	rddreg [dreg:$0x6];
	[sflag:s20] =	ssyncset.done $0x0  }
0xee: {  	s8 =	rddreg [dreg:$0x5];
	[sflag:s20] =	ssyncadd.s32 $0xFFFFFFB0;
	s0 =	sadd.s32 @!p3 $0x0, s0  }
0xef: {  	[tilespmem:s14], [sflag:$0x14] =	stream.linear.gather @!p3 [hbm4b:s0+s10], $0x50, $0x38;
	[tilespmem:$0x1ED80] =	vst v63  }
0xf0: {  	s15 =	simm.s32 @!p1 $0x13;
	s20 =	simm.s32 @!p3 $0xA780;
	s0 =	sadd.s32 @!p3 $0x0, s8  }
0xf1: {  	[tilespmem:s20], [sflag:$0x14] =	stream.linear.gather @!p3 [hbm4b:s0+s10], $0x50, $0x38;
	[tilespmem:$0x1ED80] =	vst v63  }
0xf2: {  	_ =	swait.ge @!p1 [sflag:s15], $0x50  }
0xf3: {  	[sflag:s15] =	ssyncset.done @!p1 $0x0  }
0xf4: {  	[sflag:s15] =	ssyncadd.s32 @!p1 $0xFFFFFFB0  }
0xf5: {  	_ =	swait.ge @!p1 [sflag:s15], $0x50  }
0xf6: {  	[sflag:s15] =	ssyncset.done @!p1 $0x0  }
0xf7: {  	s8 =	simm.s32 @!p1 $0x50;
	s10 =	simm.s32 @!p1 $0x5000;
	[sflag:s15] =	ssyncadd.s32 @!p1 $0xFFFFFFB0  }
0xf8: {  	[tilespmem:s10], [sflag:$0x3] =	stream.indirect.gather @!p1 [hbm4b:s3+s8], $0x80, s12, s8, $0xb8;
	[tilespmem:$0x1ED80] =	vst v63  }
0xf9: {  	_ =	swait.ge [sflag:s21], $0x2800  }
0xfa: {  	[sflag:s21] =	ssyncset.done $0x0  }
0xfb: {  	[sflag:s21] =	ssyncadd.s32 $0xFFFFD800  }
0xfc: {  	[spmem:s4] =	stream.indirect.scatter.add.f32 [tilespmem:s18], [sflag:$0x5], $0x80, s26, s31, $0xb8;
	[tilespmem:$0x1ED80] =	vst v63  }
0xfd: {  	_ = 	snop  }
0xfe: {  	[spmem:s5] =	stream.indirect.scatter.add.f32 [tilespmem:s25], [sflag:$0x9], $0x1, s26, s31, $0xb8;
	[tilespmem:$0x1ED80] =	vst v63  }
0xff: {  	s25 =	simm.s32 $0x8  }
0x100: {  	_ =	swait.ge [sflag:s25], $0x2800  }
0x101: {  	[sflag:s25] =	ssyncset.done $0x0  }
0x102: {  	p4 =	por $0x0, $0x0;
	s26 =	simm.s32 $0xC;
	[sflag:s25] =	ssyncadd.s32 $0xFFFFD800  }
0x103: {  	p2 =	por p4, p4;
	s0 =	sadd.s32 @!p4 $0x280, s17;
	_ =	swait.ge [sflag:s26], $0x50  }
0x104: {  	s16 =	simm.s32 @!p2 $0xA000;
	s0 =	sshrl.u32 @!p4 s0, $0x3;
	[sflag:s26] =	ssyncset.done $0x0  }
0x105: {  	s15 =	sadd.s32 @!p4 s23, s0;
	s12 =	simm.s32 @!p2 $0x0;
	[sflag:s26] =	ssyncadd.s32 $0xFFFFFFB0  }
0x106: {  	[tilespmem:s16], [sflag:$0xD] =	stream.linear.gather @!p2 [hbm4b:s15+s12], $0x50, $0x38;
	[tilespmem:$0x1ED80] =	vst v63  }
0x107: {  	s0 =	sadd.s32 @!p4 s22, s0;
	s15 =	simm.s32 @!p2 $0xA400  }
0x108: {  	[tilespmem:s15], [sflag:$0xD] =	stream.linear.gather @!p2 [hbm4b:s0+s12], $0x50, $0x38;
	[tilespmem:$0x1ED80] =	vst v63  }
0x109: {  	s15 =	simm.s32 @!p3 $0x14  }
0x10a: {  	_ =	swait.ge @!p3 [sflag:s15], $0x50  }
0x10b: {  	[sflag:s15] =	ssyncset.done @!p3 $0x0  }
0x10c: {  	[sflag:s15] =	ssyncadd.s32 @!p3 $0xFFFFFFB0  }
0x10d: {  	_ =	swait.ge @!p3 [sflag:s15], $0x50  }
0x10e: {  	[sflag:s15] =	ssyncset.done @!p3 $0x0  }
0x10f: {  	s25 =	simm.s32 @!p3 $0x7800;
	s0 =	simm.s32 @!p3 $0x50;
	[sflag:s15] =	ssyncadd.s32 @!p3 $0xFFFFFFB0  }
0x110: {  	[tilespmem:s25], [sflag:$0x4] =	stream.indirect.gather @!p3 [hbm4b:s3+s0], $0x80, s14, s0, $0xb8;
	[tilespmem:$0x1ED80] =	vst v63  }
0x111: {  	s14 =	simm.s32 @!p0 $0x2  }
0x112: {  	_ =	swait.ge @!p0 [sflag:s14], $0x2800  }
0x113: {  	[sflag:s14] =	ssyncset.done @!p0 $0x0  }
0x114: {  	[sflag:s14] =	ssyncadd.s32 @!p0 $0xFFFFD800  }
0x115: {  	[spmem:s4] =	stream.indirect.scatter.add.f32 @!p0 [tilespmem:s9], [sflag:$0x6], $0x80, s6, s7, $0xb8;
	[tilespmem:$0x1ED80] =	vst v63  }
0x116: {  	s15 =	simm.s32 $0x5;
	s9 =	simm.s32 @!p0 $0xA800  }
0x117: {  	[spmem:s5] =	stream.indirect.scatter.add.f32 @!p0 [tilespmem:s9], [sflag:$0xA], $0x1, s6, s7, $0xb8;
	[tilespmem:$0x1ED80] =	vst v63  }
0x118: {  	_ =	swait.ge [sflag:s15], $0x2800  }
0x119: {  	[sflag:s15] =	ssyncset.done $0x0  }
0x11a: {  	[sflag:s15] =	ssyncadd.s32 $0xFFFFD800  }
0x11b: {  	_ =	swait.ge [sflag:s1], $0x50  }
0x11c: {  	s14 =	simm.s32 @!p2 $0xA080;
	s6 =	rddreg [dreg:$0xe];
	[sflag:s1] =	ssyncset.done $0x0  }
0x11d: {  	s7 =	rddreg [dreg:$0xd];
	[sflag:s1] =	ssyncadd.s32 $0xFFFFFFB0;
	s6 =	sadd.s32 @!p2 $0x0, s6  }
0x11e: {  	[tilespmem:s14], [sflag:$0xE] =	stream.linear.gather @!p2 [hbm4b:s6+s12], $0x50, $0x38;
	[tilespmem:$0x1ED80] =	vst v63  }
0x11f: {  	s7 =	sadd.s32 @!p2 $0x0, s7;
	s6 =	simm.s32 @!p2 $0xA480  }
0x120: {  	[tilespmem:s6], [sflag:$0xE] =	stream.linear.gather @!p2 [hbm4b:s7+s12], $0x50, $0x38;
	[tilespmem:$0x1ED80] =	vst v63  }
0x121: {  	s6 =	simm.s32 @!p2 $0xD  }
0x122: {  	_ =	swait.ge @!p2 [sflag:s6], $0x50  }
0x123: {  	[sflag:s6] =	ssyncset.done @!p2 $0x0  }
0x124: {  	[sflag:s6] =	ssyncadd.s32 @!p2 $0xFFFFFFB0  }
0x125: {  	_ =	swait.ge @!p2 [sflag:s6], $0x50  }
0x126: {  	[sflag:s6] =	ssyncset.done @!p2 $0x0  }
0x127: {  	s7 =	simm.s32 @!p2 $0x50;
	[sflag:s6] =	ssyncadd.s32 @!p2 $0xFFFFFFB0;
	s6 =	simm.s32 @!p1 $0x3  }
0x128: {  	[tilespmem:s12], [sflag:$0x1] =	stream.indirect.gather @!p2 [hbm4b:s3+s7], $0x80, s16, s7, $0xb8;
	[tilespmem:$0x1ED80] =	vst v63  }
0x129: {  	_ =	swait.ge @!p1 [sflag:s6], $0x2800  }
0x12a: {  	[sflag:s6] =	ssyncset.done @!p1 $0x0  }
0x12b: {  	[sflag:s6] =	ssyncadd.s32 @!p1 $0xFFFFD800  }
0x12c: {  	[spmem:s4] =	stream.indirect.scatter.add.f32 @!p1 [tilespmem:s10], [sflag:$0x7], $0x80, s2, s8, $0xb8;
	[tilespmem:$0x1ED80] =	vst v63  }
0x12d: {  	s9 =	simm.s32 @!p0 $0x6;
	s6 =	simm.s32 @!p1 $0xA800  }
0x12e: {  	[spmem:s5] =	stream.indirect.scatter.add.f32 @!p1 [tilespmem:s6], [sflag:$0xB], $0x1, s2, s8, $0xb8;
	[tilespmem:$0x1ED80] =	vst v63  }
0x12f: {  	_ =	swait.ge @!p0 [sflag:s9], $0x2800  }
0x130: {  	[sflag:s9] =	ssyncset.done @!p0 $0x0  }
0x131: {  	s2 =	simm.s32 @!p0 $0xA;
	[sflag:s9] =	ssyncadd.s32 @!p0 $0xFFFFD800  }
0x132: {  	_ =	swait.ge @!p0 [sflag:s2], $0x50  }
0x133: {  	s6 =	rddreg [dreg:$0xc]  }
0x134: {  	s28 =	simm.s32 $0x500;
	[sflag:s2] =	ssyncset.done @!p0 $0x0;
	s8 =	rddreg [dreg:$0xb]  }
0x135: {  	[sflag:s2] =	ssyncadd.s32 @!p0 $0xFFFFFFB0;
	s2 =	sadd.s32 @!p2 $0x0, s6;
	s6 =	simm.s32 @!p2 $0xA100  }
0x136: {  	[tilespmem:s6], [sflag:$0xF] =	stream.linear.gather @!p2 [hbm4b:s2+s12], $0x50, $0x38;
	[tilespmem:$0x1ED80] =	vst v63  }
0x137: {  	s2 =	simm.s32 @!p2 $0xA500;
	s6 =	sadd.s32 @!p2 $0x0, s8;
	s8 =	simm.s32 @!p2 $0xE  }
0x138: {  	[tilespmem:s2], [sflag:$0xF] =	stream.linear.gather @!p2 [hbm4b:s6+s12], $0x50, $0x38;
	[tilespmem:$0x1ED80] =	vst v63  }
0x139: {  	s19 =	simm.s32 $0x500;
	p4 =	por $0x0, $0x0;
	_ =	swait.ge @!p2 [sflag:s8], $0x50  }
0x13a: {  	s18 =	simm.s32 $0xF;
	p0 =	por $0x0, $0x0;
	[sflag:s8] =	ssyncset.done @!p2 $0x0  }
0x13b: {  	s26 =	simm.s32 $0x50;
	s2 =	sadd.s32 @!p0 $0x500, s17;
	[sflag:s8] =	ssyncadd.s32 @!p2 $0xFFFFFFB0  }
0x13c: {  	s6 =	simm.s32 @!p3 $0x4;
	s2 =	sshrl.u32 @!p0 s2, $0x3;
	_ =	swait.ge @!p2 [sflag:s8], $0x50  }
0x13d: {  	s12 =	sadd.s32 @!p0 s23, s2;
	s1 =	sadd.s32 @!p0 s22, s2;
	[sflag:s8] =	ssyncset.done @!p2 $0x0  }
0x13e: {  	s2 =	simm.s32 @!p2 $0x2800;
	[dreg:$0x11] =	wrdreg s1;
	[sflag:s8] =	ssyncadd.s32 @!p2 $0xFFFFFFB0  }
0x13f: {  	[tilespmem:s2], [sflag:$0x2] =	stream.indirect.gather @!p2 [hbm4b:s3+s7], $0x80, s14, s7, $0xb8;
	[tilespmem:$0x1ED80] =	vst v63  }
0x140: {  	s10 =	simm.s32 $0xA0;
	p0 =	por p0, p0;
	_ =	swait.ge @!p3 [sflag:s6], $0x2800  }
.LBB2_6:
0x141: {  	p1 =	seq.s32 s10, $0x4B0;
	s28 =	sadd.s32 $0x280, s28;
	[sflag:s6] =	ssyncset.done @!p3 $0x0  }
0x142: {  	s2 =	sadd.s32 @!p1 s28, s17;
	[sflag:s6] =	ssyncadd.s32 @!p3 $0xFFFFD800  }
0x143: {  	[spmem:s4] =	stream.indirect.scatter.add.f32 @!p3 [tilespmem:s25], [sflag:$0x8], $0x80, s20, s0, $0xb8;
	[tilespmem:$0x1ED80] =	vst v63  }
0x144: {  	s1 =	smov.u32 s10;
	s6 =	simm.s32 @!p3 $0xA800;
	s2 =	sshrl.u32 @!p1 s2, $0x3  }
0x145: {  	[spmem:s5] =	stream.indirect.scatter.add.f32 @!p3 [tilespmem:s6], [sflag:$0xC], $0x1, s20, s0, $0xb8;
	[tilespmem:$0x1ED80] =	vst v63  }
0x146: {  	[dreg:$0x12] =	wrdreg s1;
	s0 =	sadd.s32 @!p1 s23, s2  }
0x147: {  	s7 =	simm.s32 @!p4 $0x7;
	[dreg:$0x14] =	wrdreg s0  }
0x148: {  	_ =	swait.ge @!p4 [sflag:s7], $0x2800  }
0x149: {  	s0 =	sadd.s32 @!p1 s22, s2;
	[sflag:s7] =	ssyncset.done @!p4 $0x0  }
0x14a: {  	s6 =	simm.s32 @!p4 $0xB;
	[dreg:$0x13] =	wrdreg s0;
	[sflag:s7] =	ssyncadd.s32 @!p4 $0xFFFFD800  }
0x14b: {  	s21 =	simm.s32 $0x0;
	_ =	swait.ge @!p4 [sflag:s6], $0x50  }
0x14c: {  	s8 =	simm.s32 $0xA180;
	[sflag:s6] =	ssyncset.done @!p4 $0x0;
	s7 =	rddreg [dreg:$0x10]  }
0x14d: {  	s1 =	rddreg [dreg:$0xf];
	[sflag:s6] =	ssyncadd.s32 @!p4 $0xFFFFFFB0;
	s6 =	sadd.s32 s26, s7  }
0x14e: {  	[tilespmem:s8], [sflag:$0x10] =	stream.linear.gather [hbm4b:s6+s21], $0x50, $0x38;
	[tilespmem:$0x1ED80] =	vst v63  }
0x14f: {  	s9 =	simm.s32 $0xF;
	s20 =	simm.s32 $0xA580;
	s2 =	sadd.s32 s26, s1  }
0x150: {  	[tilespmem:s20], [sflag:$0x10] =	stream.linear.gather [hbm4b:s2+s21], $0x50, $0x38;
	[tilespmem:$0x1ED80] =	vst v63  }
0x151: {  	_ =	swait.ge [sflag:s9], $0x50  }
0x152: {  	[sflag:s9] =	ssyncset.done $0x0  }
0x153: {  	[sflag:s9] =	ssyncadd.s32 $0xFFFFFFB0  }
0x154: {  	_ =	swait.ge [sflag:s9], $0x50  }
0x155: {  	s16 =	simm.s32 $0x5000;
	[sflag:s9] =	ssyncset.done $0x0  }
0x156: {  	s25 =	smov.u32 s12;
	s12 =	simm.s32 $0x1;
	[sflag:s9] =	ssyncadd.s32 $0xFFFFFFB0  }
0x157: {  	[tilespmem:s16], [sflag:$0x3] =	stream.indirect.gather [hbm4b:s3+s31], $0x80, s13, s31, $0xb8;
	[tilespmem:$0x1ED80] =	vst v63  }
0x158: {  	_ =	swait.ge [sflag:s12], $0x2800  }
0x159: {  	s14 =	sadd.s32 $0xFFFFFFF8, s18;
	[sflag:s12] =	ssyncset.done $0x0  }
0x15a: {  	p3 =	sgt.u32 s14, $0x7C;
	[sflag:s12] =	ssyncadd.s32 $0xFFFFD800  }
0x15b: {  	[spmem:s4] =	stream.indirect.scatter.add.f32 [tilespmem:s21], [sflag:$0x5], $0x80, s29, s31, $0xb8;
	[tilespmem:$0x1ED80] =	vst v63  }
0x15c: {  	s2 =	simm.s32 @!p3 $0x8;
	s9 =	simm.s32 $0x50;
	s31 =	simm.s32 $0xA800  }
0x15d: {  	[spmem:s5] =	stream.indirect.scatter.add.f32 [tilespmem:s31], [sflag:$0x9], $0x1, s29, s9, $0xb8;
	[tilespmem:$0x1ED80] =	vst v63  }
0x15e: {  	_ =	swait.ge @!p3 [sflag:s2], $0x2800  }
0x15f: {  	s6 =	sadd.s32 @!p3 $0xFFFFFEC0, s19;
	[sflag:s2] =	ssyncset.done @!p3 $0x0  }
0x160: {  	s7 =	simm.s32 @!p3 $0xC;
	s6 =	simm.s32 @p3 $0x140;
	[sflag:s2] =	ssyncadd.s32 @!p3 $0xFFFFD800  }
0x161: {  	s6 =	sadd.s32 s24, s6;
	_ =	swait.ge @!p3 [sflag:s7], $0x50  }
0x162: {  	s0 =	sshrl.u32 s6, $0x3;
	[sflag:s7] =	ssyncset.done @!p3 $0x0  }
0x163: {  	s6 =	sadd.s32 s23, s0;
	s13 =	simm.s32 $0xA200;
	[sflag:s7] =	ssyncadd.s32 @!p3 $0xFFFFFFB0  }
0x164: {  	[tilespmem:s13], [sflag:$0x11] =	stream.linear.gather [hbm4b:s6+s21], $0x50, $0x38;
	[tilespmem:$0x1ED80] =	vst v63  }
0x165: {  	s2 =	sadd.s32 s22, s0;
	s0 =	simm.s32 $0xA600;
	s6 =	simm.s32 $0x10  }
0x166: {  	[tilespmem:s0], [sflag:$0x11] =	stream.linear.gather [hbm4b:s2+s21], $0x50, $0x38;
	[tilespmem:$0x1ED80] =	vst v63  }
0x167: {  	_ =	swait.ge [sflag:s6], $0x50  }
0x168: {  	[sflag:s6] =	ssyncset.done $0x0  }
0x169: {  	[sflag:s6] =	ssyncadd.s32 $0xFFFFFFB0  }
0x16a: {  	_ =	swait.ge [sflag:s6], $0x50  }
0x16b: {  	[sflag:s6] =	ssyncset.done $0x0  }
0x16c: {  	s7 =	simm.s32 $0x2;
	[sflag:s6] =	ssyncadd.s32 $0xFFFFFFB0  }
0x16d: {  	[tilespmem:s11], [sflag:$0x4] =	stream.indirect.gather [hbm4b:s3+s9], $0x80, s8, s9, $0xb8;
	[tilespmem:$0x1ED80] =	vst v63  }
0x16e: {  	_ =	swait.ge [sflag:s7], $0x2800  }
0x16f: {  	[sflag:s7] =	ssyncset.done $0x0  }
0x170: {  	s8 =	simm.s32 $0x2800;
	[sflag:s7] =	ssyncadd.s32 $0xFFFFD800  }
0x171: {  	[spmem:s4] =	stream.indirect.scatter.add.f32 [tilespmem:s8], [sflag:$0x6], $0x80, s30, s9, $0xb8;
	[tilespmem:$0x1ED80] =	vst v63  }
0x172: {  	_ = 	snop  }
0x173: {  	[spmem:s5] =	stream.indirect.scatter.add.f32 [tilespmem:s31], [sflag:$0xA], $0x1, s30, s9, $0xb8;
	[tilespmem:$0x1ED80] =	vst v63  }
0x174: {  	_ =	swait.ge [sflag:s15], $0x2800  }
0x175: {  	s14 =	sadd.s32 $0xFFFFFFFE, s18;
	[sflag:s15] =	ssyncset.done $0x0  }
0x176: {  	s1 =	simm.s32 $0x9;
	p4 =	sgt.u32 s14, $0x7C;
	[sflag:s15] =	ssyncadd.s32 $0xFFFFD800  }
0x177: {  	s6 =	simm.s32 @!p4 $0xA280;
	_ =	swait.ge [sflag:s1], $0x50  }
0x178: {  	s7 =	simm.s32 @!p4 $0x0;
	s2 =	rddreg [dreg:$0xa];
	[sflag:s1] =	ssyncset.done $0x0  }
0x179: {  	s8 =	rddreg [dreg:$0x9];
	[sflag:s1] =	ssyncadd.s32 $0xFFFFFFB0;
	s14 =	sadd.s32 @!p4 s26, s2  }
0x17a: {  	[tilespmem:s6], [sflag:$0x12] =	stream.linear.gather @!p4 [hbm4b:s14+s7], $0x50, $0x38;
	[tilespmem:$0x1ED80] =	vst v63  }
0x17b: {  	s15 =	simm.s32 $0x11;
	s2 =	simm.s32 @!p4 $0xA680;
	s8 =	sadd.s32 @!p4 s26, s8  }
0x17c: {  	[tilespmem:s2], [sflag:$0x12] =	stream.linear.gather @!p4 [hbm4b:s8+s7], $0x50, $0x38;
	[tilespmem:$0x1ED80] =	vst v63  }
0x17d: {  	_ =	swait.ge [sflag:s15], $0x50  }
0x17e: {  	[sflag:s15] =	ssyncset.done $0x0  }
0x17f: {  	[sflag:s15] =	ssyncadd.s32 $0xFFFFFFB0  }
0x180: {  	_ =	swait.ge [sflag:s15], $0x50  }
0x181: {  	[sflag:s15] =	ssyncset.done $0x0  }
0x182: {  	s8 =	simm.s32 $0x3;
	[sflag:s15] =	ssyncadd.s32 $0xFFFFFFB0  }
0x183: {  	[tilespmem:s21], [sflag:$0x1] =	stream.indirect.gather [hbm4b:s3+s9], $0x80, s13, s9, $0xb8;
	[tilespmem:$0x1ED80] =	vst v63  }
0x184: {  	_ =	swait.ge [sflag:s8], $0x2800  }
0x185: {  	[sflag:s8] =	ssyncset.done $0x0  }
0x186: {  	s13 =	simm.s32 $0xA500;
	[sflag:s8] =	ssyncadd.s32 $0xFFFFD800  }
0x187: {  	[spmem:s4] =	stream.indirect.scatter.add.f32 [tilespmem:s16], [sflag:$0x7], $0x80, s13, s9, $0xb8;
	[tilespmem:$0x1ED80] =	vst v63  }
0x188: {  	s14 =	simm.s32 $0x6  }
0x189: {  	[spmem:s5] =	stream.indirect.scatter.add.f32 [tilespmem:s31], [sflag:$0xB], $0x1, s13, s9, $0xb8;
	[tilespmem:$0x1ED80] =	vst v63  }
0x18a: {  	_ =	swait.ge [sflag:s14], $0x2800  }
0x18b: {  	[sflag:s14] =	ssyncset.done $0x0  }
0x18c: {  	s15 =	simm.s32 $0xA;
	[sflag:s14] =	ssyncadd.s32 $0xFFFFD800  }
0x18d: {  	_ =	swait.ge [sflag:s15], $0x50  }
0x18e: {  	s16 =	sadd.s32 $0xFFFFFFFF, s18;
	s7 =	rddreg [dreg:$0x8];
	[sflag:s15] =	ssyncset.done $0x0  }
0x18f: {  	p5 =	sgt.u32 s16, $0x7C;
	s14 =	rddreg [dreg:$0x7];
	[sflag:s15] =	ssyncadd.s32 $0xFFFFFFB0  }
0x190: {  	s8 =	sadd.s32 @!p5 s26, s7;
	s15 =	simm.s32 @!p5 $0x0;
	s7 =	simm.s32 @!p5 $0xA300  }
0x191: {  	[tilespmem:s7], [sflag:$0x13] =	stream.linear.gather @!p5 [hbm4b:s8+s15], $0x50, $0x38;
	[tilespmem:$0x1ED80] =	vst v63  }
0x192: {  	s16 =	simm.s32 @!p4 $0x12;
	s14 =	sadd.s32 @!p5 s26, s14;
	s8 =	simm.s32 @!p5 $0xA700  }
0x193: {  	[tilespmem:s8], [sflag:$0x13] =	stream.linear.gather @!p5 [hbm4b:s14+s15], $0x50, $0x38;
	[tilespmem:$0x1ED80] =	vst v63  }
0x194: {  	_ =	swait.ge @!p4 [sflag:s16], $0x50  }
0x195: {  	[sflag:s16] =	ssyncset.done @!p4 $0x0  }
0x196: {  	[sflag:s16] =	ssyncadd.s32 @!p4 $0xFFFFFFB0  }
0x197: {  	_ =	swait.ge @!p4 [sflag:s16], $0x50  }
0x198: {  	s30 =	simm.s32 @!p4 $0x2800;
	[sflag:s16] =	ssyncset.done @!p4 $0x0  }
0x199: {  	s14 =	simm.s32 @!p4 $0x50;
	s15 =	simm.s32 $0x4;
	[sflag:s16] =	ssyncadd.s32 @!p4 $0xFFFFFFB0  }
0x19a: {  	[tilespmem:s30], [sflag:$0x2] =	stream.indirect.gather @!p4 [hbm4b:s3+s14], $0x80, s6, s14, $0xb8;
	[tilespmem:$0x1ED80] =	vst v63  }
0x19b: {  	_ =	swait.ge [sflag:s15], $0x2800  }
0x19c: {  	[sflag:s15] =	ssyncset.done $0x0  }
0x19d: {  	[sflag:s15] =	ssyncadd.s32 $0xFFFFD800  }
0x19e: {  	[spmem:s4] =	stream.indirect.scatter.add.f32 [tilespmem:s11], [sflag:$0x8], $0x80, s20, s9, $0xb8;
	[tilespmem:$0x1ED80] =	vst v63  }
0x19f: {  	s16 =	simm.s32 $0x7  }
0x1a0: {  	[spmem:s5] =	stream.indirect.scatter.add.f32 [tilespmem:s31], [sflag:$0xC], $0x1, s20, s9, $0xb8;
	[tilespmem:$0x1ED80] =	vst v63  }
0x1a1: {  	_ =	swait.ge [sflag:s16], $0x2800  }
0x1a2: {  	s29 =	smov.u32 s23;
	[sflag:s16] =	ssyncset.done $0x0  }
0x1a3: {  	p3 =	sgt.u32 s18, $0x7C;
	s20 =	simm.s32 $0xB;
	[sflag:s16] =	ssyncadd.s32 $0xFFFFD800  }
0x1a4: {  	s23 =	smov.u32 s22;
	s22 =	simm.s32 @!p3 $0x0;
	_ =	swait.ge [sflag:s20], $0x50  }
0x1a5: {  	s15 =	simm.s32 @!p3 $0xA380;
	s6 =	rddreg [dreg:$0x6];
	[sflag:s20] =	ssyncset.done $0x0  }
0x1a6: {  	s16 =	rddreg [dreg:$0x5];
	[sflag:s20] =	ssyncadd.s32 $0xFFFFFFB0;
	s6 =	sadd.s32 @!p3 s26, s6  }
0x1a7: {  	[tilespmem:s15], [sflag:$0x14] =	stream.linear.gather @!p3 [hbm4b:s6+s22], $0x50, $0x38;
	[tilespmem:$0x1ED80] =	vst v63  }
0x1a8: {  	s11 =	simm.s32 @!p5 $0x13;
	s20 =	simm.s32 @!p3 $0xA780;
	s6 =	sadd.s32 @!p3 s26, s16  }
0x1a9: {  	[tilespmem:s20], [sflag:$0x14] =	stream.linear.gather @!p3 [hbm4b:s6+s22], $0x50, $0x38;
	[tilespmem:$0x1ED80] =	vst v63  }
0x1aa: {  	_ =	swait.ge @!p5 [sflag:s11], $0x50  }
0x1ab: {  	[sflag:s11] =	ssyncset.done @!p5 $0x0  }
0x1ac: {  	[sflag:s11] =	ssyncadd.s32 @!p5 $0xFFFFFFB0  }
0x1ad: {  	_ =	swait.ge @!p5 [sflag:s11], $0x50  }
0x1ae: {  	[sflag:s11] =	ssyncset.done @!p5 $0x0  }
0x1af: {  	s16 =	simm.s32 @!p5 $0x50;
	s6 =	simm.s32 @!p5 $0x5000;
	[sflag:s11] =	ssyncadd.s32 @!p5 $0xFFFFFFB0  }
0x1b0: {  	[tilespmem:s6], [sflag:$0x3] =	stream.indirect.gather @!p5 [hbm4b:s3+s16], $0x80, s7, s16, $0xb8;
	[tilespmem:$0x1ED80] =	vst v63  }
0x1b1: {  	_ =	swait.ge [sflag:s12], $0x2800  }
0x1b2: {  	[sflag:s12] =	ssyncset.done $0x0  }
0x1b3: {  	[sflag:s12] =	ssyncadd.s32 $0xFFFFD800  }
0x1b4: {  	[spmem:s4] =	stream.indirect.scatter.add.f32 [tilespmem:s21], [sflag:$0x5], $0x80, s0, s9, $0xb8;
	[tilespmem:$0x1ED80] =	vst v63  }
0x1b5: {  	s21 =	simm.s32 $0x8  }
0x1b6: {  	[spmem:s5] =	stream.indirect.scatter.add.f32 [tilespmem:s31], [sflag:$0x9], $0x1, s0, s9, $0xb8;
	[tilespmem:$0x1ED80] =	vst v63  }
0x1b7: {  	_ =	swait.ge [sflag:s21], $0x2800  }
0x1b8: {  	[sflag:s21] =	ssyncset.done $0x0  }
0x1b9: {  	s22 =	simm.s32 $0xC;
	[sflag:s21] =	ssyncadd.s32 $0xFFFFD800  }
0x1ba: {  	_ =	swait.ge [sflag:s22], $0x50  }
0x1bb: {  	[sflag:s22] =	ssyncset.done $0x0  }
0x1bc: {  	s7 =	simm.s32 @!p0 $0xA000;
	[sflag:s22] =	ssyncadd.s32 $0xFFFFFFB0;
	s22 =	simm.s32 @!p0 $0x0  }
0x1bd: {  	[tilespmem:s7], [sflag:$0xD] =	stream.linear.gather @!p0 [hbm4b:s25+s22], $0x50, $0x38;
	[tilespmem:$0x1ED80] =	vst v63  }
0x1be: {  	s13 =	simm.s32 @!p3 $0x14;
	s11 =	simm.s32 @!p0 $0xA400;
	s0 =	rddreg [dreg:$0x11]  }
0x1bf: {  	[tilespmem:s11], [sflag:$0xD] =	stream.linear.gather @!p0 [hbm4b:s0+s22], $0x50, $0x38;
	[tilespmem:$0x1ED80] =	vst v63  }
0x1c0: {  	s25 =	rddreg [dreg:$0x14];
	_ =	swait.ge @!p3 [sflag:s13], $0x50  }
0x1c1: {  	s0 =	rddreg [dreg:$0x13]  }
0x1c2: {  	[sflag:s13] =	ssyncset.done @!p3 $0x0;
	s11 =	smov.u32 s0  }
0x1c3: {  	[sflag:s13] =	ssyncadd.s32 @!p3 $0xFFFFFFB0;
	[dreg:$0x11] =	wrdreg s11  }
0x1c4: {  	_ =	swait.ge @!p3 [sflag:s13], $0x50  }
0x1c5: {  	s12 =	smov.u32 s25;
	s25 =	simm.s32 @!p3 $0x7800;
	[sflag:s13] =	ssyncset.done @!p3 $0x0  }
0x1c6: {  	s0 =	simm.s32 @!p3 $0x50;
	s11 =	simm.s32 @!p4 $0x2;
	[sflag:s13] =	ssyncadd.s32 @!p3 $0xFFFFFFB0  }
0x1c7: {  	[tilespmem:s25], [sflag:$0x4] =	stream.indirect.gather @!p3 [hbm4b:s3+s0], $0x80, s15, s0, $0xb8;
	[tilespmem:$0x1ED80] =	vst v63  }
0x1c8: {  	_ =	swait.ge @!p4 [sflag:s11], $0x2800  }
0x1c9: {  	[sflag:s11] =	ssyncset.done @!p4 $0x0  }
0x1ca: {  	[sflag:s11] =	ssyncadd.s32 @!p4 $0xFFFFD800  }
0x1cb: {  	[spmem:s4] =	stream.indirect.scatter.add.f32 @!p4 [tilespmem:s30], [sflag:$0x6], $0x80, s2, s14, $0xb8;
	[tilespmem:$0x1ED80] =	vst v63  }
0x1cc: {  	s15 =	simm.s32 $0x5;
	s11 =	simm.s32 @!p4 $0xA800  }
0x1cd: {  	[spmem:s5] =	stream.indirect.scatter.add.f32 @!p4 [tilespmem:s11], [sflag:$0xA], $0x1, s2, s14, $0xb8;
	[tilespmem:$0x1ED80] =	vst v63  }
0x1ce: {  	_ =	swait.ge [sflag:s15], $0x2800  }
0x1cf: {  	[sflag:s15] =	ssyncset.done $0x0  }
0x1d0: {  	[sflag:s15] =	ssyncadd.s32 $0xFFFFD800  }
0x1d1: {  	_ =	swait.ge [sflag:s1], $0x50  }
0x1d2: {  	s2 =	rddreg [dreg:$0xe]  }
0x1d3: {  	[sflag:s1] =	ssyncset.done $0x0;
	s11 =	rddreg [dreg:$0xd]  }
0x1d4: {  	[sflag:s1] =	ssyncadd.s32 $0xFFFFFFB0;
	s13 =	sadd.s32 @!p0 s26, s2;
	s2 =	simm.s32 @!p0 $0xA080  }
0x1d5: {  	[tilespmem:s2], [sflag:$0xE] =	stream.linear.gather @!p0 [hbm4b:s13+s22], $0x50, $0x38;
	[tilespmem:$0x1ED80] =	vst v63  }
0x1d6: {  	s14 =	simm.s32 @!p0 $0xA480;
	s11 =	sadd.s32 @!p0 s26, s11;
	s13 =	simm.s32 @!p0 $0xD  }
0x1d7: {  	[tilespmem:s14], [sflag:$0xE] =	stream.linear.gather @!p0 [hbm4b:s11+s22], $0x50, $0x38;
	[tilespmem:$0x1ED80] =	vst v63  }
0x1d8: {  	_ =	swait.ge @!p0 [sflag:s13], $0x50  }
0x1d9: {  	[sflag:s13] =	ssyncset.done @!p0 $0x0  }
0x1da: {  	[sflag:s13] =	ssyncadd.s32 @!p0 $0xFFFFFFB0  }
0x1db: {  	_ =	swait.ge @!p0 [sflag:s13], $0x50  }
0x1dc: {  	[sflag:s13] =	ssyncset.done @!p0 $0x0  }
0x1dd: {  	s14 =	simm.s32 @!p0 $0x50;
	s11 =	simm.s32 @!p5 $0x3;
	[sflag:s13] =	ssyncadd.s32 @!p0 $0xFFFFFFB0  }
0x1de: {  	[tilespmem:s22], [sflag:$0x1] =	stream.indirect.gather @!p0 [hbm4b:s3+s14], $0x80, s7, s14, $0xb8;
	[tilespmem:$0x1ED80] =	vst v63  }
0x1df: {  	_ =	swait.ge @!p5 [sflag:s11], $0x2800  }
0x1e0: {  	[sflag:s11] =	ssyncset.done @!p5 $0x0  }
0x1e1: {  	[sflag:s11] =	ssyncadd.s32 @!p5 $0xFFFFD800  }
0x1e2: {  	[spmem:s4] =	stream.indirect.scatter.add.f32 @!p5 [tilespmem:s6], [sflag:$0x7], $0x80, s8, s16, $0xb8;
	[tilespmem:$0x1ED80] =	vst v63  }
0x1e3: {  	s7 =	simm.s32 @!p5 $0xA800;
	s6 =	simm.s32 @!p4 $0x6  }
0x1e4: {  	[spmem:s5] =	stream.indirect.scatter.add.f32 @!p5 [tilespmem:s7], [sflag:$0xB], $0x1, s8, s16, $0xb8;
	[tilespmem:$0x1ED80] =	vst v63  }
0x1e5: {  	_ =	swait.ge @!p4 [sflag:s6], $0x2800  }
0x1e6: {  	[sflag:s6] =	ssyncset.done @!p4 $0x0  }
0x1e7: {  	s10 =	sadd.s32 $0x50, s10;
	s7 =	simm.s32 @!p4 $0xA;
	[sflag:s6] =	ssyncadd.s32 @!p4 $0xFFFFD800  }
0x1e8: {  	p2 =	sne.s32 s10, $0x500;
	_ =	swait.ge @!p4 [sflag:s7], $0x50  }
0x1e9: {  	s19 =	smov.u32 s28;
	s18 =	sadd.s32 $0x8, s18;
	s6 =	rddreg [dreg:$0xc]  }
0x1ea: {  	s31 =	simm.s32 $0x50;
	[sflag:s7] =	ssyncset.done @!p4 $0x0;
	s8 =	rddreg [dreg:$0xb]  }
0x1eb: {  	[sflag:s7] =	ssyncadd.s32 @!p4 $0xFFFFFFB0;
	s6 =	sadd.s32 @!p0 s26, s6;
	s7 =	simm.s32 @!p0 $0xA100  }
0x1ec: {  	[tilespmem:s7], [sflag:$0xF] =	stream.linear.gather @!p0 [hbm4b:s6+s22], $0x50, $0x38;
	[tilespmem:$0x1ED80] =	vst v63  }
0x1ed: {  	s11 =	simm.s32 @!p0 $0xA500;
	s6 =	sadd.s32 @!p0 s26, s8;
	s7 =	simm.s32 @!p0 $0xE  }
0x1ee: {  	[tilespmem:s11], [sflag:$0xF] =	stream.linear.gather @!p0 [hbm4b:s6+s22], $0x50, $0x38;
	[tilespmem:$0x1ED80] =	vst v63  }
0x1ef: {  	s21 =	sadd.s32 $0xFFFFFFF7, s18;
	s16 =	rddreg [dreg:$0x12];
	_ =	swait.ge @!p0 [sflag:s7], $0x50  }
0x1f0: {  	s30 =	simm.s32 $0xA480;
	s13 =	simm.s32 $0xA100;
	[sflag:s7] =	ssyncset.done @!p0 $0x0  }
0x1f1: {  	p4 =	sgt.u32 s21, $0x7C;
	s26 =	smov.u32 s16;
	[sflag:s7] =	ssyncadd.s32 @!p0 $0xFFFFFFB0  }
.Ltmp2:
0x1f2: {  	s8 =	simm.s32 @!p0 $0x2800;
	_ =	swait.ge @!p0 [sflag:s7], $0x50;
	(pc) =	sbr.rel @p2 .LBB2_6-.Ltmp2, $4  }
0x1f3: {  	s22 =	smov.u32 s23;
	s23 =	smov.u32 s29;
	[sflag:s7] =	ssyncset.done @!p0 $0x0  }
0x1f4: {  	s29 =	simm.s32 $0xA400;
	s6 =	simm.s32 @!p3 $0x4;
	[sflag:s7] =	ssyncadd.s32 @!p0 $0xFFFFFFB0  }
0x1f5: {  	[tilespmem:s8], [sflag:$0x2] =	stream.indirect.gather @!p0 [hbm4b:s3+s14], $0x80, s2, s14, $0xb8;
	[tilespmem:$0x1ED80] =	vst v63  }
0x1f6: {  	s11 =	simm.s32 $0x7800;
	p0 =	por p1, p1;
	_ =	swait.ge @!p3 [sflag:s6], $0x2800  }
0x1f7: {  	[sflag:s6] =	ssyncset.done @!p3 $0x0  }
0x1f8: {  	[sflag:s6] =	ssyncadd.s32 @!p3 $0xFFFFD800  }
0x1f9: {  	[spmem:s4] =	stream.indirect.scatter.add.f32 @!p3 [tilespmem:s25], [sflag:$0x8], $0x80, s20, s0, $0xb8;
	[tilespmem:$0x1ED80] =	vst v63  }
0x1fa: {  	s2 =	simm.s32 @!p3 $0xA800;
	s6 =	simm.s32 @!p4 $0x7  }
0x1fb: {  	[spmem:s5] =	stream.indirect.scatter.add.f32 @!p3 [tilespmem:s2], [sflag:$0xC], $0x1, s20, s0, $0xb8;
	[tilespmem:$0x1ED80] =	vst v63  }
0x1fc: {  	_ =	swait.ge @!p4 [sflag:s6], $0x2800  }
0x1fd: {  	[sflag:s6] =	ssyncset.done @!p4 $0x0  }
0x1fe: {  	s0 =	simm.s32 @!p4 $0xB;
	[sflag:s6] =	ssyncadd.s32 @!p4 $0xFFFFD800  }
0x1ff: {  	s7 =	simm.s32 $0xA180;
	_ =	swait.ge @!p4 [sflag:s0], $0x50  }
0x200: {  	s20 =	simm.s32 $0x0;
	s25 =	rddreg [dreg:$0x10];
	[sflag:s0] =	ssyncset.done @!p4 $0x0  }
0x201: {  	s1 =	rddreg [dreg:$0xf];
	[sflag:s0] =	ssyncadd.s32 @!p4 $0xFFFFFFB0;
	s8 =	sadd.s32 s26, s25  }
0x202: {  	[tilespmem:s7], [sflag:$0x10] =	stream.linear.gather [hbm4b:s8+s20], $0x50, $0x38;
	[tilespmem:$0x1ED80] =	vst v63  }
0x203: {  	s14 =	simm.s32 $0xA580;
	s10 =	simm.s32 $0xF;
	s9 =	sadd.s32 s26, s1  }
0x204: {  	[tilespmem:s14], [sflag:$0x10] =	stream.linear.gather [hbm4b:s9+s20], $0x50, $0x38;
	[tilespmem:$0x1ED80] =	vst v63  }
0x205: {  	_ =	swait.ge [sflag:s10], $0x50  }
0x206: {  	[sflag:s10] =	ssyncset.done $0x0  }
0x207: {  	[sflag:s10] =	ssyncadd.s32 $0xFFFFFFB0  }
0x208: {  	_ =	swait.ge [sflag:s10], $0x50  }
0x209: {  	[sflag:s10] =	ssyncset.done $0x0  }
0x20a: {  	s1 =	simm.s32 $0x5000;
	s9 =	simm.s32 $0x1;
	[sflag:s10] =	ssyncadd.s32 $0xFFFFFFB0  }
0x20b: {  	[tilespmem:s1], [sflag:$0x3] =	stream.indirect.gather [hbm4b:s3+s31], $0x80, s13, s31, $0xb8;
	[tilespmem:$0x1ED80] =	vst v63  }
0x20c: {  	_ =	swait.ge [sflag:s9], $0x2800  }
0x20d: {  	s16 =	sadd.s32 $0xFFFFFFF8, s18;
	[sflag:s9] =	ssyncset.done $0x0  }
0x20e: {  	p1 =	sgt.u32 s16, $0x7C;
	[sflag:s9] =	ssyncadd.s32 $0xFFFFD800  }
0x20f: {  	[spmem:s4] =	stream.indirect.scatter.add.f32 [tilespmem:s20], [sflag:$0x5], $0x80, s29, s31, $0xb8;
	[tilespmem:$0x1ED80] =	vst v63  }
0x210: {  	s21 =	simm.s32 $0xA800;
	s0 =	simm.s32 @!p1 $0x8  }
0x211: {  	[spmem:s5] =	stream.indirect.scatter.add.f32 [tilespmem:s21], [sflag:$0x9], $0x1, s29, s31, $0xb8;
	[tilespmem:$0x1ED80] =	vst v63  }
0x212: {  	_ =	swait.ge @!p1 [sflag:s0], $0x2800  }
0x213: {  	s2 =	sadd.s32 @!p1 $0xFFFFFEC0, s19;
	[sflag:s0] =	ssyncset.done @!p1 $0x0  }
0x214: {  	s2 =	simm.s32 @p1 $0x140;
	s6 =	simm.s32 @!p1 $0xC;
	[sflag:s0] =	ssyncadd.s32 @!p1 $0xFFFFD800  }
0x215: {  	s19 =	sadd.s32 s24, s2;
	_ =	swait.ge @!p1 [sflag:s6], $0x50  }
0x216: {  	s0 =	sshrl.u32 s19, $0x3;
	[sflag:s6] =	ssyncset.done @!p1 $0x0  }
0x217: {  	s8 =	simm.s32 $0xA200;
	s25 =	sadd.s32 s23, s0;
	[sflag:s6] =	ssyncadd.s32 @!p1 $0xFFFFFFB0  }
0x218: {  	[tilespmem:s8], [sflag:$0x11] =	stream.linear.gather [hbm4b:s25+s20], $0x50, $0x38;
	[tilespmem:$0x1ED80] =	vst v63  }
0x219: {  	s0 =	sadd.s32 s22, s0;
	s6 =	simm.s32 $0x10;
	s25 =	simm.s32 $0xA600  }
0x21a: {  	[tilespmem:s25], [sflag:$0x11] =	stream.linear.gather [hbm4b:s0+s20], $0x50, $0x38;
	[tilespmem:$0x1ED80] =	vst v63  }
0x21b: {  	_ =	swait.ge [sflag:s6], $0x50  }
0x21c: {  	[sflag:s6] =	ssyncset.done $0x0  }
0x21d: {  	[sflag:s6] =	ssyncadd.s32 $0xFFFFFFB0  }
0x21e: {  	_ =	swait.ge [sflag:s6], $0x50  }
0x21f: {  	[sflag:s6] =	ssyncset.done $0x0  }
0x220: {  	s10 =	simm.s32 $0x2;
	[sflag:s6] =	ssyncadd.s32 $0xFFFFFFB0  }
0x221: {  	[tilespmem:s11], [sflag:$0x4] =	stream.indirect.gather [hbm4b:s3+s31], $0x80, s7, s31, $0xb8;
	[tilespmem:$0x1ED80] =	vst v63  }
0x222: {  	_ =	swait.ge [sflag:s10], $0x2800  }
0x223: {  	[sflag:s10] =	ssyncset.done $0x0  }
0x224: {  	s11 =	simm.s32 $0x2800;
	[sflag:s10] =	ssyncadd.s32 $0xFFFFD800  }
0x225: {  	[spmem:s4] =	stream.indirect.scatter.add.f32 [tilespmem:s11], [sflag:$0x6], $0x80, s30, s31, $0xb8;
	[tilespmem:$0x1ED80] =	vst v63  }
0x226: {  	_ = 	snop  }
0x227: {  	[spmem:s5] =	stream.indirect.scatter.add.f32 [tilespmem:s21], [sflag:$0xA], $0x1, s30, s31, $0xb8;
	[tilespmem:$0x1ED80] =	vst v63  }
0x228: {  	_ =	swait.ge [sflag:s15], $0x2800  }
0x229: {  	s13 =	sadd.s32 $0xFFFFFFFE, s18;
	[sflag:s15] =	ssyncset.done $0x0  }
0x22a: {  	s19 =	simm.s32 $0x9;
	p1 =	sgt.u32 s13, $0x7C;
	[sflag:s15] =	ssyncadd.s32 $0xFFFFD800  }
0x22b: {  	s0 =	simm.s32 @!p1 $0x0;
	_ =	swait.ge [sflag:s19], $0x50  }
0x22c: {  	s7 =	simm.s32 @!p1 $0xA280;
	s2 =	rddreg [dreg:$0xa];
	[sflag:s19] =	ssyncset.done $0x0  }
0x22d: {  	s6 =	rddreg [dreg:$0x9];
	[sflag:s19] =	ssyncadd.s32 $0xFFFFFFB0;
	s2 =	sadd.s32 @!p1 s26, s2  }
0x22e: {  	[tilespmem:s7], [sflag:$0x12] =	stream.linear.gather @!p1 [hbm4b:s2+s0], $0x50, $0x38;
	[tilespmem:$0x1ED80] =	vst v63  }
0x22f: {  	s15 =	simm.s32 $0x11;
	s6 =	sadd.s32 @!p1 s26, s6;
	s2 =	simm.s32 @!p1 $0xA680  }
0x230: {  	[tilespmem:s2], [sflag:$0x12] =	stream.linear.gather @!p1 [hbm4b:s6+s0], $0x50, $0x38;
	[tilespmem:$0x1ED80] =	vst v63  }
0x231: {  	_ =	swait.ge [sflag:s15], $0x50  }
0x232: {  	[sflag:s15] =	ssyncset.done $0x0  }
0x233: {  	[sflag:s15] =	ssyncadd.s32 $0xFFFFFFB0  }
0x234: {  	_ =	swait.ge [sflag:s15], $0x50  }
0x235: {  	[sflag:s15] =	ssyncset.done $0x0  }
0x236: {  	s16 =	simm.s32 $0x3;
	[sflag:s15] =	ssyncadd.s32 $0xFFFFFFB0  }
0x237: {  	[tilespmem:s20], [sflag:$0x1] =	stream.indirect.gather [hbm4b:s3+s31], $0x80, s8, s31, $0xb8;
	[tilespmem:$0x1ED80] =	vst v63  }
0x238: {  	_ =	swait.ge [sflag:s16], $0x2800  }
0x239: {  	[sflag:s16] =	ssyncset.done $0x0  }
0x23a: {  	s6 =	simm.s32 $0xA500;
	[sflag:s16] =	ssyncadd.s32 $0xFFFFD800  }
0x23b: {  	[spmem:s4] =	stream.indirect.scatter.add.f32 [tilespmem:s1], [sflag:$0x7], $0x80, s6, s31, $0xb8;
	[tilespmem:$0x1ED80] =	vst v63  }
0x23c: {  	s8 =	simm.s32 $0x6  }
0x23d: {  	[spmem:s5] =	stream.indirect.scatter.add.f32 [tilespmem:s21], [sflag:$0xB], $0x1, s6, s31, $0xb8;
	[tilespmem:$0x1ED80] =	vst v63  }
0x23e: {  	_ =	swait.ge [sflag:s8], $0x2800  }
0x23f: {  	[sflag:s8] =	ssyncset.done $0x0  }
0x240: {  	s10 =	simm.s32 $0xA;
	[sflag:s8] =	ssyncadd.s32 $0xFFFFD800  }
0x241: {  	s11 =	sadd.s32 $0xFFFFFFFF, s18;
	_ =	swait.ge [sflag:s10], $0x50  }
0x242: {  	p3 =	sgt.u32 s11, $0x7C;
	s0 =	rddreg [dreg:$0x8]  }
0x243: {  	s11 =	simm.s32 @!p3 $0xA300;
	[sflag:s10] =	ssyncset.done $0x0;
	s8 =	rddreg [dreg:$0x7]  }
0x244: {  	[sflag:s10] =	ssyncadd.s32 $0xFFFFFFB0;
	s0 =	sadd.s32 @!p3 s26, s0;
	s10 =	simm.s32 @!p3 $0x0  }
0x245: {  	[tilespmem:s11], [sflag:$0x13] =	stream.linear.gather @!p3 [hbm4b:s0+s10], $0x50, $0x38;
	[tilespmem:$0x1ED80] =	vst v63  }
0x246: {  	s6 =	simm.s32 @!p3 $0xA700;
	s0 =	sadd.s32 @!p3 s26, s8;
	s8 =	simm.s32 @!p1 $0x12  }
0x247: {  	[tilespmem:s6], [sflag:$0x13] =	stream.linear.gather @!p3 [hbm4b:s0+s10], $0x50, $0x38;
	[tilespmem:$0x1ED80] =	vst v63  }
0x248: {  	_ =	swait.ge @!p1 [sflag:s8], $0x50  }
0x249: {  	[sflag:s8] =	ssyncset.done @!p1 $0x0  }
0x24a: {  	[sflag:s8] =	ssyncadd.s32 @!p1 $0xFFFFFFB0  }
0x24b: {  	_ =	swait.ge @!p1 [sflag:s8], $0x50  }
0x24c: {  	s15 =	simm.s32 $0x4;
	[sflag:s8] =	ssyncset.done @!p1 $0x0  }
0x24d: {  	s16 =	simm.s32 @!p1 $0x2800;
	s10 =	simm.s32 @!p1 $0x50;
	[sflag:s8] =	ssyncadd.s32 @!p1 $0xFFFFFFB0  }
0x24e: {  	[tilespmem:s16], [sflag:$0x2] =	stream.indirect.gather @!p1 [hbm4b:s3+s10], $0x80, s7, s10, $0xb8;
	[tilespmem:$0x1ED80] =	vst v63  }
0x24f: {  	_ =	swait.ge [sflag:s15], $0x2800  }
0x250: {  	[sflag:s15] =	ssyncset.done $0x0  }
0x251: {  	s13 =	simm.s32 $0x7800;
	[sflag:s15] =	ssyncadd.s32 $0xFFFFD800  }
0x252: {  	[spmem:s4] =	stream.indirect.scatter.add.f32 [tilespmem:s13], [sflag:$0x8], $0x80, s14, s31, $0xb8;
	[tilespmem:$0x1ED80] =	vst v63  }
0x253: {  	s7 =	simm.s32 $0x7  }
0x254: {  	[spmem:s5] =	stream.indirect.scatter.add.f32 [tilespmem:s21], [sflag:$0xC], $0x1, s14, s31, $0xb8;
	[tilespmem:$0x1ED80] =	vst v63  }
0x255: {  	_ =	swait.ge [sflag:s7], $0x2800  }
0x256: {  	[sflag:s7] =	ssyncset.done $0x0  }
0x257: {  	s8 =	simm.s32 $0xB;
	[sflag:s7] =	ssyncadd.s32 $0xFFFFD800  }
0x258: {  	_ =	swait.ge [sflag:s8], $0x50  }
0x259: {  	p2 =	sgt.u32 s18, $0x7C;
	s0 =	rddreg [dreg:$0x6]  }
0x25a: {  	s13 =	simm.s32 @!p2 $0xA380;
	[sflag:s8] =	ssyncset.done $0x0;
	s7 =	rddreg [dreg:$0x5]  }
0x25b: {  	[sflag:s8] =	ssyncadd.s32 $0xFFFFFFB0;
	s0 =	sadd.s32 @!p2 s26, s0;
	s8 =	simm.s32 @!p2 $0x0  }
0x25c: {  	[tilespmem:s13], [sflag:$0x14] =	stream.linear.gather @!p2 [hbm4b:s0+s8], $0x50, $0x38;
	[tilespmem:$0x1ED80] =	vst v63  }
0x25d: {  	s15 =	simm.s32 @!p3 $0x13;
	s7 =	sadd.s32 @!p2 s26, s7;
	s0 =	simm.s32 @!p2 $0xA780  }
0x25e: {  	[tilespmem:s0], [sflag:$0x14] =	stream.linear.gather @!p2 [hbm4b:s7+s8], $0x50, $0x38;
	[tilespmem:$0x1ED80] =	vst v63  }
0x25f: {  	_ =	swait.ge @!p3 [sflag:s15], $0x50  }
0x260: {  	[sflag:s15] =	ssyncset.done @!p3 $0x0  }
0x261: {  	[sflag:s15] =	ssyncadd.s32 @!p3 $0xFFFFFFB0  }
0x262: {  	_ =	swait.ge @!p3 [sflag:s15], $0x50  }
0x263: {  	[sflag:s15] =	ssyncset.done @!p3 $0x0  }
0x264: {  	s18 =	simm.s32 @!p3 $0x5000;
	s14 =	simm.s32 @!p3 $0x50;
	[sflag:s15] =	ssyncadd.s32 @!p3 $0xFFFFFFB0  }
0x265: {  	[tilespmem:s18], [sflag:$0x3] =	stream.indirect.gather @!p3 [hbm4b:s3+s14], $0x80, s11, s14, $0xb8;
	[tilespmem:$0x1ED80] =	vst v63  }
0x266: {  	_ =	swait.ge [sflag:s9], $0x2800  }
0x267: {  	[sflag:s9] =	ssyncset.done $0x0  }
0x268: {  	[sflag:s9] =	ssyncadd.s32 $0xFFFFD800  }
0x269: {  	[spmem:s4] =	stream.indirect.scatter.add.f32 [tilespmem:s20], [sflag:$0x5], $0x80, s25, s31, $0xb8;
	[tilespmem:$0x1ED80] =	vst v63  }
0x26a: {  	s11 =	simm.s32 $0x8  }
0x26b: {  	[spmem:s5] =	stream.indirect.scatter.add.f32 [tilespmem:s21], [sflag:$0x9], $0x1, s25, s31, $0xb8;
	[tilespmem:$0x1ED80] =	vst v63  }
0x26c: {  	_ =	swait.ge [sflag:s11], $0x2800  }
0x26d: {  	[sflag:s11] =	ssyncset.done $0x0  }
0x26e: {  	s15 =	simm.s32 $0xC;
	[sflag:s11] =	ssyncadd.s32 $0xFFFFD800  }
0x26f: {  	_ =	swait.ge [sflag:s15], $0x50  }
0x270: {  	[sflag:s15] =	ssyncset.done $0x0  }
0x271: {  	s11 =	simm.s32 @!p0 $0xA000;
	[sflag:s15] =	ssyncadd.s32 $0xFFFFFFB0;
	s15 =	simm.s32 @!p0 $0x0  }
0x272: {  	[tilespmem:s11], [sflag:$0xD] =	stream.linear.gather @!p0 [hbm4b:s12+s15], $0x50, $0x38;
	[tilespmem:$0x1ED80] =	vst v63  }
0x273: {  	s7 =	simm.s32 @!p0 $0xA400;
	s8 =	rddreg [dreg:$0x11]  }
0x274: {  	[tilespmem:s7], [sflag:$0xD] =	stream.linear.gather @!p0 [hbm4b:s8+s15], $0x50, $0x38;
	[tilespmem:$0x1ED80] =	vst v63  }
0x275: {  	s8 =	simm.s32 @!p2 $0x14  }
0x276: {  	_ =	swait.ge @!p2 [sflag:s8], $0x50  }
0x277: {  	[sflag:s8] =	ssyncset.done @!p2 $0x0  }
0x278: {  	[sflag:s8] =	ssyncadd.s32 @!p2 $0xFFFFFFB0  }
0x279: {  	_ =	swait.ge @!p2 [sflag:s8], $0x50  }
0x27a: {  	s9 =	simm.s32 @!p1 $0x2;
	[sflag:s8] =	ssyncset.done @!p2 $0x0  }
0x27b: {  	s7 =	simm.s32 @!p2 $0x50;
	[sflag:s8] =	ssyncadd.s32 @!p2 $0xFFFFFFB0;
	s8 =	simm.s32 @!p2 $0x7800  }
0x27c: {  	[tilespmem:s8], [sflag:$0x4] =	stream.indirect.gather @!p2 [hbm4b:s3+s7], $0x80, s13, s7, $0xb8;
	[tilespmem:$0x1ED80] =	vst v63  }
0x27d: {  	_ =	swait.ge @!p1 [sflag:s9], $0x2800  }
0x27e: {  	[sflag:s9] =	ssyncset.done @!p1 $0x0  }
0x27f: {  	[sflag:s9] =	ssyncadd.s32 @!p1 $0xFFFFD800  }
0x280: {  	[spmem:s4] =	stream.indirect.scatter.add.f32 @!p1 [tilespmem:s16], [sflag:$0x6], $0x80, s2, s10, $0xb8;
	[tilespmem:$0x1ED80] =	vst v63  }
0x281: {  	s1 =	simm.s32 $0x5;
	s9 =	simm.s32 @!p1 $0xA800  }
0x282: {  	[spmem:s5] =	stream.indirect.scatter.add.f32 @!p1 [tilespmem:s9], [sflag:$0xA], $0x1, s2, s10, $0xb8;
	[tilespmem:$0x1ED80] =	vst v63  }
0x283: {  	_ =	swait.ge [sflag:s1], $0x2800  }
0x284: {  	[sflag:s1] =	ssyncset.done $0x0  }
0x285: {  	[sflag:s1] =	ssyncadd.s32 $0xFFFFD800  }
0x286: {  	_ =	swait.ge [sflag:s19], $0x50  }
0x287: {  	s10 =	simm.s32 @!p0 $0xA080;
	s2 =	rddreg [dreg:$0xe];
	[sflag:s19] =	ssyncset.done $0x0  }
0x288: {  	s9 =	rddreg [dreg:$0xd];
	[sflag:s19] =	ssyncadd.s32 $0xFFFFFFB0;
	s2 =	sadd.s32 @!p0 s26, s2  }
0x289: {  	[tilespmem:s10], [sflag:$0xE] =	stream.linear.gather @!p0 [hbm4b:s2+s15], $0x50, $0x38;
	[tilespmem:$0x1ED80] =	vst v63  }
0x28a: {  	s9 =	sadd.s32 @!p0 s26, s9;
	s2 =	simm.s32 @!p0 $0xA480  }
0x28b: {  	[tilespmem:s2], [sflag:$0xE] =	stream.linear.gather @!p0 [hbm4b:s9+s15], $0x50, $0x38;
	[tilespmem:$0x1ED80] =	vst v63  }
0x28c: {  	s2 =	simm.s32 @!p0 $0xD  }
0x28d: {  	_ =	swait.ge @!p0 [sflag:s2], $0x50  }
0x28e: {  	[sflag:s2] =	ssyncset.done @!p0 $0x0  }
0x28f: {  	[sflag:s2] =	ssyncadd.s32 @!p0 $0xFFFFFFB0  }
0x290: {  	_ =	swait.ge @!p0 [sflag:s2], $0x50  }
0x291: {  	[sflag:s2] =	ssyncset.done @!p0 $0x0  }
0x292: {  	s9 =	simm.s32 @!p3 $0x3;
	[sflag:s2] =	ssyncadd.s32 @!p0 $0xFFFFFFB0;
	s2 =	simm.s32 @!p0 $0x50  }
0x293: {  	[tilespmem:s15], [sflag:$0x1] =	stream.indirect.gather @!p0 [hbm4b:s3+s2], $0x80, s11, s2, $0xb8;
	[tilespmem:$0x1ED80] =	vst v63  }
0x294: {  	_ =	swait.ge @!p3 [sflag:s9], $0x2800  }
0x295: {  	[sflag:s9] =	ssyncset.done @!p3 $0x0  }
0x296: {  	[sflag:s9] =	ssyncadd.s32 @!p3 $0xFFFFD800  }
0x297: {  	[spmem:s4] =	stream.indirect.scatter.add.f32 @!p3 [tilespmem:s18], [sflag:$0x7], $0x80, s6, s14, $0xb8;
	[tilespmem:$0x1ED80] =	vst v63  }
0x298: {  	s9 =	simm.s32 @!p3 $0xA800  }
0x299: {  	[spmem:s5] =	stream.indirect.scatter.add.f32 @!p3 [tilespmem:s9], [sflag:$0xB], $0x1, s6, s14, $0xb8;
	[tilespmem:$0x1ED80] =	vst v63  }
0x29a: {  	s6 =	simm.s32 @!p1 $0x6  }
0x29b: {  	_ =	swait.ge @!p1 [sflag:s6], $0x2800  }
0x29c: {  	[sflag:s6] =	ssyncset.done @!p1 $0x0  }
0x29d: {  	s9 =	simm.s32 @!p1 $0xA;
	[sflag:s6] =	ssyncadd.s32 @!p1 $0xFFFFD800  }
0x29e: {  	_ =	swait.ge @!p1 [sflag:s9], $0x50  }
0x29f: {  	s6 =	rddreg [dreg:$0xc]  }
0x2a0: {  	[sflag:s9] =	ssyncset.done @!p1 $0x0;
	s11 =	rddreg [dreg:$0xb]  }
0x2a1: {  	[sflag:s9] =	ssyncadd.s32 @!p1 $0xFFFFFFB0;
	s6 =	sadd.s32 @!p0 s26, s6;
	s9 =	simm.s32 @!p0 $0xA100  }
0x2a2: {  	[tilespmem:s9], [sflag:$0xF] =	stream.linear.gather @!p0 [hbm4b:s6+s15], $0x50, $0x38;
	[tilespmem:$0x1ED80] =	vst v63  }
0x2a3: {  	s6 =	sadd.s32 @!p0 s26, s11;
	s9 =	simm.s32 @!p0 $0xA500  }
0x2a4: {  	[tilespmem:s9], [sflag:$0xF] =	stream.linear.gather @!p0 [hbm4b:s6+s15], $0x50, $0x38;
	[tilespmem:$0x1ED80] =	vst v63  }
0x2a5: {  	s6 =	simm.s32 @!p0 $0xE  }
0x2a6: {  	_ =	swait.ge @!p0 [sflag:s6], $0x50  }
0x2a7: {  	[sflag:s6] =	ssyncset.done @!p0 $0x0  }
0x2a8: {  	[sflag:s6] =	ssyncadd.s32 @!p0 $0xFFFFFFB0  }
0x2a9: {  	_ =	swait.ge @!p0 [sflag:s6], $0x50  }
0x2aa: {  	[sflag:s6] =	ssyncset.done @!p0 $0x0  }
0x2ab: {  	[sflag:s6] =	ssyncadd.s32 @!p0 $0xFFFFFFB0;
	s6 =	simm.s32 @!p0 $0x2800  }
0x2ac: {  	[tilespmem:s6], [sflag:$0x2] =	stream.indirect.gather @!p0 [hbm4b:s3+s2], $0x80, s10, s2, $0xb8;
	[tilespmem:$0x1ED80] =	vst v63  }
0x2ad: {  	s2 =	simm.s32 @!p2 $0x4  }
0x2ae: {  	_ =	swait.ge @!p2 [sflag:s2], $0x2800  }
0x2af: {  	[sflag:s2] =	ssyncset.done @!p2 $0x0  }
0x2b0: {  	[sflag:s2] =	ssyncadd.s32 @!p2 $0xFFFFD800  }
0x2b1: {  	[spmem:s4] =	stream.indirect.scatter.add.f32 @!p2 [tilespmem:s8], [sflag:$0x8], $0x80, s0, s7, $0xb8;
	[tilespmem:$0x1ED80] =	vst v63  }
0x2b2: {  	s2 =	simm.s32 @!p2 $0xA800  }
0x2b3: {  	[spmem:s5] =	stream.indirect.scatter.add.f32 @!p2 [tilespmem:s2], [sflag:$0xC], $0x1, s0, s7, $0xb8;
	[tilespmem:$0x1ED80] =	vst v63  }
0x2b4: {  	s16 =	stileid.u32;
	[bflag:$0x0] =	sbarrier.arrive $0xFFFF  }
0x2b5: {  	s8 =	simm.s32 $0x15;
	s0 =	sshll.u32 s16, $0x6;
	s10 =	rddreg [dreg:$0x1b]  }
0x2b6: {  	s0 =	sor.u32 $0x1C15, s0;
	s19 =	rddreg [dreg:$0x1d];
	s18 =	sshrl.u32 s10, $0x3  }
0x2b7: {  	[hbm:s19], [sflag:s0] =	dma.local [spmem:s18], $0x2800  }
0x2b8: {  	_ =	swait.ge [sflag:s8], $0x2800  }
0x2b9: {  	[sflag:s8] =	ssyncset.done $0x0  }
0x2ba: {  	s12 =	simm.s32 $0xA880;
	s11 =	rddreg [dreg:$0x1c];
	[sflag:s8] =	ssyncadd.s32 $0xFFFFD800  }
0x2bb: {  	[tilespmem:s12], [sflag:$0x15] =	stream.linear.gather [spmem:s11], $0x280, $0x38;
	[tilespmem:$0x1ED80] =	vst v63  }
0x2bc: {  	_ =	swait.ge [sflag:s8], $0x280  }
0x2bd: {  	[sflag:s8] =	ssyncset.done $0x0  }
0x2be: {  	s21 =	rddreg [dreg:$0x1e];
	[sflag:s8] =	ssyncadd.s32 $0xFFFFFD80  }
0x2bf: {  	[hbm4b:s21+s20] =	stream.linear.scatter [tilespmem:s12], [sflag:$0x15], $0x280, $0x38;
	[tilespmem:$0x1ED80] =	vst v63  }
0x2c0: {  	_ =	swait.ge [sflag:s8], $0x280  }
0x2c1: {  	s25 =	sld [smem:$0x7FD];
	_ =	sdelay $0x2  }
0x2c2: {  	s28 =	simm.s32 $0x10;
	s26 =	rddreg [dreg:$0x1f];
	s2 =	sadd.s32 $0x1, s25  }
0x2c3: {  	s13 =	simm.s32 $0xA100;
	s1 =	simm.s32 $0xF;
	p0 =	sne.s32 s2, s26  }
.Ltmp3:
0x2c4: {  	s14 =	simm.s32 $0x2800;
	s9 =	simm.s32 $0xA500;
	(pc) =	sbr.rel @p0 .LBB2_1-.Ltmp3, $4  }
0x2c5: {  	s15 =	simm.s32 $0xA180;
	s6 =	simm.s32 $0xA000;
	s7 =	simm.s32 $0xA080  }
0x2c6: {  	s16 =	simm.s32 $0xA580;
	s18 =	simm.s32 $0x0;
	s19 =	simm.s32 $0x5000  }
0x2c7: {  	s21 =	simm.s32 $0x1;
	s20 =	simm.s32 $0xA200;
	[sflag:s8] =	ssyncset.done $0x0  }
0x2c8: {  	[sflag:s8] =	ssyncadd.s32 $0xFFFFFD80;
	s25 =	simm.s32 $0xA800;
	s26 =	simm.s32 $0xA600  }
0x2c9: {  	_ =	sfence.sel $0x180000  }
0x2ca: {  	[bflag:$0x0] =	sbarrier.arrive $0xFFFF  }
0x2cb: {  	_ =	strace $0x90000047  }
0x2cc: {  	s0 =	stileid.u32;
	[bflag:$0x2] =	sbarrier.arrive $0xFFFF  }
0x2cd: {  	p0 =	sne.s32 s0, $0x0;
	s0 =	rddreg [dreg:$0x4]  }
0x2ce: {  	s0 =	sadd.s32 @!p0 $0x100000, s0  }
0x2cf: {  	[sflag:s0] =	ssyncadd.tile.s32 @!p0 $0x1;
	_ =	shalt  }
.Lfunc_end2:
_tile_overlayer_lowered:
.L_overlay_start_2:
0x2d0: {  	(tag) =	ssettag $0x2  }
0x2d1: {  	s0 =	rddreg [dreg:$0x0];
	s2 =	stileid.u32  }
0x2d2: {  	s1 =	rddreg [dreg:$0x1];
	p0 =	sne.s32 s2, $0x0  }
0x2d3: {  	s3 =	rddreg [dreg:$0x2];
	[bflag:$0x3] =	sbarrier.arrive $0xFFFF;
	s2 =	simm.s32 @!p0 $0x1C15  }
0x2d4: {  	[timem:s3], [sflag:s2] =	dma.local @!p0 [hbm:s0], s1  }
0x2d5: {  	s0 =	simm.s32 @!p0 $0x15  }
0x2d6: {  	_ =	swait.ge @!p0 [sflag:s0], s1  }
0x2d7: {  	s1 =	ssub.s32 @!p0 $0x0, s1;
	[sflag:s0] =	ssyncset.done @!p0 $0x0  }
0x2d8: {  	[sflag:s0] =	ssyncadd.s32 @!p0 s1  }
0x2d9: {  	[bflag:$0x3] =	sbarrier.arrive $0xFFFF  }
0x2da: {  	_ =	shalt  }

</sc_bundles>
